<compile_context>
chip_gen: v7x
topology: tpu7x:2x2x1
jax: 0.10.2.dev20260603
libtpu: 0.0.44.dev20260713+nightly
codegen_flags: <defaults>
</compile_context>

<pallas_src>
import functools

import jax
import jax.numpy as jnp
from jax import lax
from jax.experimental import pallas as pl
from jax.experimental.pallas import tpu as pltpu
from jax.experimental.pallas import tpu_sc as plsc

N_T = 10016
T = 16
E = 320000
ALPHA = 0.9
STEPS = 50

NW = 32
EPW = E // NW
CH = 80
NCH = EPW // CH

BR = 2048
NRB = -(-N_T // BR)
BRQ = 256
NQB = -(-N_T // BRQ)

F8 = jnp.float8_e4m3fn
F8_MAX = 448.0
MSTAR = 0.5
DQS = 64.0


def _prep_body(x_ref, wlt_ref, wrt_ref, aug_ref, xr_ref):
    x = x_ref[...]
    xw = jnp.dot(x, wlt_ref[...], preferred_element_type=jnp.float32)
    aug_ref[...] = jnp.concatenate([xw, jnp.ones_like(xw)], axis=1)
    xr_ref[...] = jnp.dot(x, wrt_ref[...], preferred_element_type=jnp.float32)


def _prep(x, wlt, wrt):
    return pl.pallas_call(
        _prep_body,
        out_shape=[
            jax.ShapeDtypeStruct((N_T, 2 * T), jnp.float32),
            jax.ShapeDtypeStruct((N_T, T), jnp.float32),
        ],
    )(x, wlt, wrt)


def _sc_body(aug_hbm, srcw_hbm, dstw_hbm, zeros_hbm, out_hbm,
             src_v, dst_v, rows_0, rows_1, rows_2, rows_3, agg_sh,
             sem_0, sem_1, sem_2, sem_3):
    c = lax.axis_index("c")
    s = lax.axis_index("s")
    w = s * 2 + c
    rows = (rows_0, rows_1, rows_2, rows_3)
    sems = (sem_0, sem_1, sem_2, sem_3)

    @pl.when(s == 0)
    def _zero():
        pltpu.sync_copy(zeros_hbm, agg_sh)

    plsc.subcore_barrier()

    pltpu.sync_copy(srcw_hbm.at[w], src_v)
    pltpu.sync_copy(dstw_hbm.at[w], dst_v)

    def fire(i, b):
        pltpu.async_copy(aug_hbm.at[src_v.at[i]], rows[b], sems[b])

    def drain_scatter(i, b):
        pltpu.make_async_copy(zeros_hbm.at[pl.ds(0, CH)], rows[b], sems[b]).wait()
        pltpu.sync_copy(rows[b], agg_sh.at[dst_v.at[i]], add=True)

    for j in range(3):
        fire(j, j)

    def chunk(i, carry):
        for b in range(4):
            @pl.when(i % 4 == b)
            def _(b=b):
                fire(i, b)
                drain_scatter(i - 3, (b + 1) % 4)

        return carry

    lax.fori_loop(3, NCH, chunk, 0)

    drain_scatter(NCH - 3, (NCH - 3) % 4)
    drain_scatter(NCH - 2, (NCH - 2) % 4)
    drain_scatter(NCH - 1, (NCH - 1) % 4)

    plsc.subcore_barrier()

    @pl.when(s == 0)
    def _flush():
        pltpu.sync_copy(agg_sh, out_hbm.at[c])


@functools.partial(
    pl.kernel,
    mesh=plsc.VectorSubcoreMesh(core_axis_name="c", subcore_axis_name="s"),
    out_type=jax.ShapeDtypeStruct((2, N_T, 2 * T), jnp.float32),
    scratch_types=[
        pltpu.VMEM((NCH, CH), jnp.int32),
        pltpu.VMEM((NCH, CH), jnp.int32),
        pltpu.VMEM((CH, 2 * T), jnp.float32),
        pltpu.VMEM((CH, 2 * T), jnp.float32),
        pltpu.VMEM((CH, 2 * T), jnp.float32),
        pltpu.VMEM((CH, 2 * T), jnp.float32),
        pltpu.VMEM_SHARED((N_T, 2 * T), jnp.float32),
        pltpu.SemaphoreType.DMA,
        pltpu.SemaphoreType.DMA,
        pltpu.SemaphoreType.DMA,
        pltpu.SemaphoreType.DMA,
    ],
    compiler_params=pltpu.CompilerParams(use_tc_tiling_on_sc=False),
)
def _sc_segsum(*args):
    _sc_body(*args)


def _quant_body(p_ref, q_ref, a_ref, b_ref):
    p = p_ref[...]
    m = jnp.maximum(jnp.max(p, axis=1, keepdims=True), 1e-30)
    qf8 = (p * (F8_MAX / m)).astype(F8)
    q_ref[...] = qf8
    qs = jnp.dot(qf8, jnp.ones((N_T, T), F8), preferred_element_type=jnp.float32)
    s_i = m * (1.0 / F8_MAX)
    a_ref[...] = jnp.broadcast_to(s_i * (ALPHA / DQS), (BRQ, T))
    b_ref[...] = qs * (s_i * (ALPHA * MSTAR))


def _quant(P):
    return pl.pallas_call(
        _quant_body,
        grid=(NQB,),
        in_specs=[pl.BlockSpec((BRQ, N_T), lambda i: (i, 0))],
        out_specs=[
            pl.BlockSpec((BRQ, N_T), lambda i: (i, 0)),
            pl.BlockSpec((BRQ, T), lambda i: (i, 0)),
            pl.BlockSpec((BRQ, T), lambda i: (i, 0)),
        ],
        out_shape=[
            jax.ShapeDtypeStruct((N_T, N_T), F8),
            jax.ShapeDtypeStruct((N_T, T), jnp.float32),
            jax.ShapeDtypeStruct((N_T, T), jnp.float32),
        ],
        compiler_params=pltpu.CompilerParams(
            vmem_limit_bytes=100 * 1024 * 1024),
    )(P)


def _init_body(parts_ref, xr_ref, bl_ref, amul_ref, badd_ref, l_ref,
               x0_ref, ac_ref):
    agg = parts_ref[0, :, 0:T] + parts_ref[1, :, 0:T]
    cnt = parts_ref[0, :, T:2 * T] + parts_ref[1, :, T:2 * T]
    mean = agg / jnp.maximum(cnt, 1.0)
    o = mean + bl_ref[...] + xr_ref[...]
    nrm = jnp.sqrt(jnp.sum(o * o, axis=1, keepdims=True))
    o = o / jnp.maximum(nrm, 1e-12)
    x0_ref[...] = ((jax.nn.sigmoid(o) - MSTAR) * DQS).astype(F8)
    c = badd_ref[...] + (1.0 - ALPHA) * l_ref[...]
    ac_ref[...] = jnp.concatenate([amul_ref[...], c], axis=1)


def _init(parts, xr, bl2, amul, badd, lfull):
    return pl.pallas_call(
        _init_body,
        out_shape=[
            jax.ShapeDtypeStruct((N_T, T), F8),
            jax.ShapeDtypeStruct((N_T, 2 * T), jnp.float32),
        ],
    )(parts, xr, bl2, amul, badd, lfull)


def _main_body(q_ref, ac_ref, x0_ref, out_ref, scr_a, scr_b):
    s = pl.program_id(0)
    r = pl.program_id(1)

    @pl.when((s == 0) & (r == 0))
    def _seed():
        scr_a[0:N_T, :] = x0_ref[...]

    def step(src, dst):
        xb = src[0:N_T, :]
        acc = jnp.dot(q_ref[...], xb, preferred_element_type=jnp.float32)
        nxt = ac_ref[:, 0:T] * acc + ac_ref[:, T:2 * T]
        out_ref[...] = nxt
        dst[pl.ds(r * BR, BR), :] = ((nxt - MSTAR) * DQS).astype(F8)

    @pl.when(s % 2 == 0)
    def _even():
        step(scr_a, scr_b)

    @pl.when(s % 2 == 1)
    def _odd():
        step(scr_b, scr_a)


def _main(q, ac, x0):
    return pl.pallas_call(
        _main_body,
        grid=(STEPS, NRB),
        in_specs=[
            pl.BlockSpec((BR, N_T), lambda s, r: (r, 0)),
            pl.BlockSpec((BR, 2 * T), lambda s, r: (r, 0)),
            pl.BlockSpec((N_T, T), lambda s, r: (0, 0)),
        ],
        out_specs=pl.BlockSpec((BR, T), lambda s, r: (r, 0)),
        out_shape=jax.ShapeDtypeStruct((N_T, T), jnp.float32),
        scratch_shapes=[
            pltpu.VMEM((NRB * BR, T), F8),
            pltpu.VMEM((NRB * BR, T), F8),
        ],
        compiler_params=pltpu.CompilerParams(
            vmem_limit_bytes=100 * 1024 * 1024),
    )(q, ac, x0)


def kernel(x, edge_index, P, label, W_l, b_l, W_r, true_nodes):
    aug, xr = _prep(x, W_l.T, W_r.T)

    srcw = edge_index[0].reshape(NW, NCH, CH)
    dstw = edge_index[1].reshape(NW, NCH, CH)
    zeros = jnp.zeros((N_T, 2 * T), jnp.float32)
    parts = _sc_segsum(aug, srcw, dstw, zeros)

    q, amul, badd = _quant(P)

    lfull = jnp.concatenate(
        [label, jnp.ones((N_T - label.shape[0], T), jnp.float32)], axis=0)
    x0, ac = _init(parts, xr, b_l.reshape(1, T), amul, badd, lfull)
    x1 = _main(q, ac, x0)

    return lax.dynamic_slice_in_dim(
        x1, true_nodes - label.shape[0], label.shape[0], axis=0)

# --- scband reference (transcript-rebuilt; emitter-appended) ---
"""Pipeline reference for scband-gcn-19000935318233 (READ-ONLY COPY).

The authoritative reference and input builder live on the scoring server;
editing this copy changes nothing except your own understanding.
"""

import jax, jax.numpy as jnp
import numpy as np

N_TOTAL = 10016
N_NODES = 10000
TYPES = 16
D_FEAT = 128
N_EDGES = 320000
ALPHA = 0.9


def setup_inputs(seed: int = 0) -> dict:
    key = jax.random.key(seed)
    ks = jax.random.split(key, 8)
    x = jax.random.normal(ks[0], (N_TOTAL, D_FEAT), dtype=jnp.float32)
    edge_index = jax.random.randint(ks[1], (2, N_EDGES), 0, N_TOTAL, dtype=jnp.int32)
    # P is a propagation matrix; row-normalize so 50 power iterations stay bounded
    P_raw = jax.random.uniform(ks[2], (N_TOTAL, N_TOTAL), dtype=jnp.float32)
    P = P_raw / jnp.sum(P_raw, axis=1, keepdims=True)
    label = jax.random.uniform(ks[3], (N_NODES, TYPES), dtype=jnp.float32)
    W_l = jax.random.normal(ks[4], (TYPES, D_FEAT), dtype=jnp.float32) * (1.0 / np.sqrt(D_FEAT))
    b_l = jnp.zeros((TYPES,), dtype=jnp.float32)
    W_r = jax.random.normal(ks[5], (TYPES, D_FEAT), dtype=jnp.float32) * (1.0 / np.sqrt(D_FEAT))
    return {"x": x, "edge_index": edge_index, "P": P, "label": label,
            "W_l": W_l, "b_l": b_l, "W_r": W_r, "true_nodes": N_NODES}


def reference(x, edge_index, P, label, W_l, b_l, W_r, true_nodes):
    # ---- SAGEConv(in=D_FEAT, out=TYPES, normalize=True) ----
    src = edge_index[0]
    dst = edge_index[1]
    n = x.shape[0]
    msg = jnp.take(x, src, axis=0)                              # gather x_j (source features)
    agg = jax.ops.segment_sum(msg, dst, num_segments=n)         # scatter-add at dst
    cnt = jax.ops.segment_sum(jnp.ones((dst.shape[0],), dtype=x.dtype), dst, num_segments=n)
    mean = agg / jnp.maximum(cnt, 1.0)[:, None]                 # mean aggregation
    out = mean @ W_l.T + b_l + x @ W_r.T                        # lin_l(aggr) + lin_r(x)
    nrm = jnp.sqrt(jnp.sum(out * out, axis=-1, keepdims=True))  # F.normalize p=2
    out = out / jnp.maximum(nrm, 1e-12)
    x1 = jax.nn.sigmoid(out)
    # ---- 50-step label propagation ----
    label_full = jnp.concatenate([label, jnp.ones((TYPES, TYPES), dtype=x1.dtype)], axis=0)
    for _ in range(50):
        x1 = ALPHA * (P @ x1) + (1.0 - ALPHA) * label_full
    return jax.lax.dynamic_slice_in_dim(x1, true_nodes - label.shape[0], label.shape[0], axis=0)

if __name__ == "__main__":
    import jax
    _d = setup_inputs()
    print(jax.jit(kernel)(*tuple(_d.values())))

</pallas_src>

<mosaic_0001>
#map = affine_map<(d0, d1) -> (0, 0)>
#map1 = affine_map<(d0, d1) -> (0, 0, 0)>
module attributes {stable_mosaic.version = 14 : i64} {
  func.func @_sc_segsum(%arg0: i32, %arg1: i32, %arg2: memref<10016x32xf32, #tpu.memory_space<hbm>>, %arg3: memref<32x125x80xi32, #tpu.memory_space<hbm>>, %arg4: memref<32x125x80xi32, #tpu.memory_space<hbm>>, %arg5: memref<10016x32xf32, #tpu.memory_space<hbm>>, %arg6: memref<2x10016x32xf32, #tpu.memory_space<hbm>>, %arg7: memref<125x80xi32, #tpu.memory_space<vmem>>, %arg8: memref<125x80xi32, #tpu.memory_space<vmem>>, %arg9: memref<80x32xf32, #tpu.memory_space<vmem>>, %arg10: memref<80x32xf32, #tpu.memory_space<vmem>>, %arg11: memref<80x32xf32, #tpu.memory_space<vmem>>, %arg12: memref<80x32xf32, #tpu.memory_space<vmem>>, %arg13: memref<10016x32xf32, #tpu.memory_space<vmem_shared>>, %arg14: memref<!tpu.dma_semaphore, #tpu.memory_space<semaphore_mem>>, %arg15: memref<!tpu.dma_semaphore, #tpu.memory_space<semaphore_mem>>, %arg16: memref<!tpu.dma_semaphore, #tpu.memory_space<semaphore_mem>>, %arg17: memref<!tpu.dma_semaphore, #tpu.memory_space<semaphore_mem>>) attributes {dimension_semantics = [#tpu.dimension_semantics<core_parallel>, #tpu.dimension_semantics<subcore_parallel>], iteration_bounds = array<i64: 2, 16>, scalar_prefetch = 0 : i64, scratch_operands = 11 : i64, tpu.core_type = #tpu.core_type<sc_vector_subcore>, window_params = [{transform_indices = #map}, {transform_indices = #map1}, {transform_indices = #map1}, {transform_indices = #map}, {transform_indices = #map1}]} {
    %mul3A = arith.constant 2 : i32
    %mul3A_0 = arith.muli %arg1, %mul3A : i32
    %add3A = arith.addi %mul3A_0, %arg0 : i32
    %eq3A = arith.constant 0 : i32
    %eq3A_1 = arith.cmpi eq, %arg1, %eq3A : i32
    %convert_element_type3A = arith.extui %eq3A_1 : i1 to i32
    %cond3A = arith.constant 0 : i32
    %cond3A_2 = arith.cmpi ne, %convert_element_type3A, %cond3A : i32
    scf.if %cond3A_2 {
      "tpu.region"() ({
        %run_scoped3A_53 = tpu.sem_alloc : memref<!tpu.dma_semaphore, #tpu.memory_space<semaphore_mem>>
        tpu.enqueue_dma source(%arg5 : memref<10016x32xf32, #tpu.memory_space<hbm>>) target(%arg13 : memref<10016x32xf32, #tpu.memory_space<vmem_shared>>) target_semaphore(%run_scoped3A_53 : memref<!tpu.dma_semaphore, #tpu.memory_space<semaphore_mem>>)
        tpu.wait_dma2 semaphore(%run_scoped3A_53 : memref<!tpu.dma_semaphore, #tpu.memory_space<semaphore_mem>>) src(%arg5 : memref<10016x32xf32, #tpu.memory_space<hbm>>) dst(%arg13 : memref<10016x32xf32, #tpu.memory_space<vmem_shared>>)
        tpu.yield
      }) : () -> ()
    } else {
    }
    %barrier3A = arith.constant 0 : index
    tpu.barrier barrier_id(%barrier3A)
    "tpu.region"() ({
      %run_scoped3A_53 = tpu.sem_alloc : memref<!tpu.dma_semaphore, #tpu.memory_space<semaphore_mem>>
      %dma_start3A_54 = arith.constant 0 : i32
      %dma_start3A_55 = arith.constant 0 : i32
      %dma_start3A_56 = tpu.memref_slice %arg3[%add3A, %dma_start3A_54, %dma_start3A_55] : memref<32x125x80xi32, #tpu.memory_space<hbm>> -> memref<1x125x80xi32, #tpu.memory_space<hbm>>
      %dma_start3A_57 = tpu.memref_squeeze %dma_start3A_56 : memref<1x125x80xi32, #tpu.memory_space<hbm>> -> memref<125x80xi32, #tpu.memory_space<hbm>>
      %dma_start3A_58 = arith.constant 0 : i32
      %dma_start3A_59 = arith.constant 0 : i32
      %dma_start3A_60 = tpu.memref_slice %arg3[%add3A, %dma_start3A_58, %dma_start3A_59] : memref<32x125x80xi32, #tpu.memory_space<hbm>> -> memref<1x125x80xi32, #tpu.memory_space<hbm>>
      %dma_start3A_61 = tpu.memref_squeeze %dma_start3A_60 : memref<1x125x80xi32, #tpu.memory_space<hbm>> -> memref<125x80xi32, #tpu.memory_space<hbm>>
      tpu.enqueue_dma source(%dma_start3A_61 : memref<125x80xi32, #tpu.memory_space<hbm>>) target(%arg7 : memref<125x80xi32, #tpu.memory_space<vmem>>) target_semaphore(%run_scoped3A_53 : memref<!tpu.dma_semaphore, #tpu.memory_space<semaphore_mem>>)
      %dma_wait3A_62 = arith.constant 0 : i32
      %dma_wait3A_63 = arith.constant 0 : i32
      %dma_wait3A_64 = tpu.memref_slice %arg3[%add3A, %dma_wait3A_62, %dma_wait3A_63] : memref<32x125x80xi32, #tpu.memory_space<hbm>> -> memref<1x125x80xi32, #tpu.memory_space<hbm>>
      %dma_wait3A_65 = tpu.memref_squeeze %dma_wait3A_64 : memref<1x125x80xi32, #tpu.memory_space<hbm>> -> memref<125x80xi32, #tpu.memory_space<hbm>>
      %dma_wait3A_66 = arith.constant 0 : i32
      %dma_wait3A_67 = arith.constant 0 : i32
      %dma_wait3A_68 = tpu.memref_slice %arg3[%add3A, %dma_wait3A_66, %dma_wait3A_67] : memref<32x125x80xi32, #tpu.memory_space<hbm>> -> memref<1x125x80xi32, #tpu.memory_space<hbm>>
      %dma_wait3A_69 = tpu.memref_squeeze %dma_wait3A_68 : memref<1x125x80xi32, #tpu.memory_space<hbm>> -> memref<125x80xi32, #tpu.memory_space<hbm>>
      tpu.wait_dma2 semaphore(%run_scoped3A_53 : memref<!tpu.dma_semaphore, #tpu.memory_space<semaphore_mem>>) src(%dma_wait3A_69 : memref<125x80xi32, #tpu.memory_space<hbm>>) dst(%arg7 : memref<125x80xi32, #tpu.memory_space<vmem>>)
      tpu.yield
    }) : () -> ()
    "tpu.region"() ({
      %run_scoped3A_53 = tpu.sem_alloc : memref<!tpu.dma_semaphore, #tpu.memory_space<semaphore_mem>>
      %dma_start3A_54 = arith.constant 0 : i32
      %dma_start3A_55 = arith.constant 0 : i32
      %dma_start3A_56 = tpu.memref_slice %arg4[%add3A, %dma_start3A_54, %dma_start3A_55] : memref<32x125x80xi32, #tpu.memory_space<hbm>> -> memref<1x125x80xi32, #tpu.memory_space<hbm>>
      %dma_start3A_57 = tpu.memref_squeeze %dma_start3A_56 : memref<1x125x80xi32, #tpu.memory_space<hbm>> -> memref<125x80xi32, #tpu.memory_space<hbm>>
      %dma_start3A_58 = arith.constant 0 : i32
      %dma_start3A_59 = arith.constant 0 : i32
      %dma_start3A_60 = tpu.memref_slice %arg4[%add3A, %dma_start3A_58, %dma_start3A_59] : memref<32x125x80xi32, #tpu.memory_space<hbm>> -> memref<1x125x80xi32, #tpu.memory_space<hbm>>
      %dma_start3A_61 = tpu.memref_squeeze %dma_start3A_60 : memref<1x125x80xi32, #tpu.memory_space<hbm>> -> memref<125x80xi32, #tpu.memory_space<hbm>>
      tpu.enqueue_dma source(%dma_start3A_61 : memref<125x80xi32, #tpu.memory_space<hbm>>) target(%arg8 : memref<125x80xi32, #tpu.memory_space<vmem>>) target_semaphore(%run_scoped3A_53 : memref<!tpu.dma_semaphore, #tpu.memory_space<semaphore_mem>>)
      %dma_wait3A_62 = arith.constant 0 : i32
      %dma_wait3A_63 = arith.constant 0 : i32
      %dma_wait3A_64 = tpu.memref_slice %arg4[%add3A, %dma_wait3A_62, %dma_wait3A_63] : memref<32x125x80xi32, #tpu.memory_space<hbm>> -> memref<1x125x80xi32, #tpu.memory_space<hbm>>
      %dma_wait3A_65 = tpu.memref_squeeze %dma_wait3A_64 : memref<1x125x80xi32, #tpu.memory_space<hbm>> -> memref<125x80xi32, #tpu.memory_space<hbm>>
      %dma_wait3A_66 = arith.constant 0 : i32
      %dma_wait3A_67 = arith.constant 0 : i32
      %dma_wait3A_68 = tpu.memref_slice %arg4[%add3A, %dma_wait3A_66, %dma_wait3A_67] : memref<32x125x80xi32, #tpu.memory_space<hbm>> -> memref<1x125x80xi32, #tpu.memory_space<hbm>>
      %dma_wait3A_69 = tpu.memref_squeeze %dma_wait3A_68 : memref<1x125x80xi32, #tpu.memory_space<hbm>> -> memref<125x80xi32, #tpu.memory_space<hbm>>
      tpu.wait_dma2 semaphore(%run_scoped3A_53 : memref<!tpu.dma_semaphore, #tpu.memory_space<semaphore_mem>>) src(%dma_wait3A_69 : memref<125x80xi32, #tpu.memory_space<hbm>>) dst(%arg8 : memref<125x80xi32, #tpu.memory_space<vmem>>)
      tpu.yield
    }) : () -> ()
    %dma_start3A = arith.constant 0 : i32
    %dma_start3A_3 = arith.constant 0 : i32
    %dma_start3A_4 = tpu.memref_slice %arg7[%dma_start3A, %dma_start3A_3] : memref<125x80xi32, #tpu.memory_space<vmem>> -> memref<1x80xi32, #tpu.memory_space<vmem>>
    %dma_start3A_5 = tpu.memref_squeeze %dma_start3A_4 : memref<1x80xi32, #tpu.memory_space<vmem>> -> memref<80xi32, #tpu.memory_space<vmem>>
    %dma_start3A_6 = arith.constant 0 : i32
    %dma_start3A_7 = arith.constant 0 : i32
    %dma_start3A_8 = tpu.memref_slice %arg2[%dma_start3A_6, %dma_start3A_7] : memref<10016x32xf32, #tpu.memory_space<hbm>> -> memref<10016x32xf32, #tpu.memory_space<hbm>>
    tpu.enqueue_indirect_dma source(%dma_start3A_8 : memref<10016x32xf32, #tpu.memory_space<hbm>>) target(%arg9 : memref<80x32xf32, #tpu.memory_space<vmem>>) offsets(%dma_start3A_5 : memref<80xi32, #tpu.memory_space<vmem>>) semaphore(%arg14 : memref<!tpu.dma_semaphore, #tpu.memory_space<semaphore_mem>>)
    %dma_start3A_9 = arith.constant 1 : i32
    %dma_start3A_10 = arith.constant 0 : i32
    %dma_start3A_11 = tpu.memref_slice %arg7[%dma_start3A_9, %dma_start3A_10] : memref<125x80xi32, #tpu.memory_space<vmem>> -> memref<1x80xi32, #tpu.memory_space<vmem>>
    %dma_start3A_12 = tpu.memref_squeeze %dma_start3A_11 : memref<1x80xi32, #tpu.memory_space<vmem>> -> memref<80xi32, #tpu.memory_space<vmem>>
    %dma_start3A_13 = arith.constant 0 : i32
    %dma_start3A_14 = arith.constant 0 : i32
    %dma_start3A_15 = tpu.memref_slice %arg2[%dma_start3A_13, %dma_start3A_14] : memref<10016x32xf32, #tpu.memory_space<hbm>> -> memref<10016x32xf32, #tpu.memory_space<hbm>>
    tpu.enqueue_indirect_dma source(%dma_start3A_15 : memref<10016x32xf32, #tpu.memory_space<hbm>>) target(%arg10 : memref<80x32xf32, #tpu.memory_space<vmem>>) offsets(%dma_start3A_12 : memref<80xi32, #tpu.memory_space<vmem>>) semaphore(%arg15 : memref<!tpu.dma_semaphore, #tpu.memory_space<semaphore_mem>>)
    %dma_start3A_16 = arith.constant 2 : i32
    %dma_start3A_17 = arith.constant 0 : i32
    %dma_start3A_18 = tpu.memref_slice %arg7[%dma_start3A_16, %dma_start3A_17] : memref<125x80xi32, #tpu.memory_space<vmem>> -> memref<1x80xi32, #tpu.memory_space<vmem>>
    %dma_start3A_19 = tpu.memref_squeeze %dma_start3A_18 : memref<1x80xi32, #tpu.memory_space<vmem>> -> memref<80xi32, #tpu.memory_space<vmem>>
    %dma_start3A_20 = arith.constant 0 : i32
    %dma_start3A_21 = arith.constant 0 : i32
    %dma_start3A_22 = tpu.memref_slice %arg2[%dma_start3A_20, %dma_start3A_21] : memref<10016x32xf32, #tpu.memory_space<hbm>> -> memref<10016x32xf32, #tpu.memory_space<hbm>>
    tpu.enqueue_indirect_dma source(%dma_start3A_22 : memref<10016x32xf32, #tpu.memory_space<hbm>>) target(%arg11 : memref<80x32xf32, #tpu.memory_space<vmem>>) offsets(%dma_start3A_19 : memref<80xi32, #tpu.memory_space<vmem>>) semaphore(%arg16 : memref<!tpu.dma_semaphore, #tpu.memory_space<semaphore_mem>>)
    %scan3A = arith.constant 0 : i32
    %scan3A_23 = arith.constant 3 : i32
    %scan3A_24 = arith.constant 122 : i32
    %scan3A_25 = arith.addi %scan3A_23, %scan3A_24 : i32
    %scan3A_26 = arith.constant 1 : i32
    scf.for %scan3A_53 = %scan3A_23 to %scan3A_25 step %scan3A_26  : i32 {
      %jit3A = arith.constant 4 : i32
      %eq3A_54 = arith.constant 0 : i32
      %eq3A_55 = arith.cmpi eq, %jit3A, %eq3A_54 : i32
      %jit3A_56 = arith.constant 1 : i32
      %select_n3A = arith.select %eq3A_55, %jit3A_56, %jit3A : i32
      %rem3A = arith.remsi %scan3A_53, %select_n3A : i32
      %ne3A = arith.constant 0 : i32
      %ne3A_57 = arith.cmpi ne, %rem3A, %ne3A : i32
      %lt3A = arith.constant 0 : i32
      %lt3A_58 = arith.cmpi slt, %rem3A, %lt3A : i32
      %lt3A_59 = arith.constant 0 : i32
      %lt3A_60 = arith.cmpi slt, %select_n3A, %lt3A_59 : i32
      %ne3A_61 = arith.xori %lt3A_58, %lt3A_60 : i1
      %and3A = arith.andi %ne3A_61, %ne3A_57 : i1
      %add3A_62 = arith.addi %rem3A, %select_n3A : i32
      %select_n3A_63 = arith.select %and3A, %add3A_62, %rem3A : i32
      %eq3A_64 = arith.constant 0 : i32
      %eq3A_65 = arith.cmpi eq, %select_n3A_63, %eq3A_64 : i32
      %convert_element_type3A_66 = arith.extui %eq3A_65 : i1 to i32
      %cond3A_67 = arith.constant 0 : i32
      %cond3A_68 = arith.cmpi ne, %convert_element_type3A_66, %cond3A_67 : i32
      scf.if %cond3A_68 {
        %dma_start3A_132 = arith.constant 0 : i32
        %dma_start3A_133 = tpu.memref_slice %arg7[%scan3A_53, %dma_start3A_132] : memref<125x80xi32, #tpu.memory_space<vmem>> -> memref<1x80xi32, #tpu.memory_space<vmem>>
        %dma_start3A_134 = tpu.memref_squeeze %dma_start3A_133 : memref<1x80xi32, #tpu.memory_space<vmem>> -> memref<80xi32, #tpu.memory_space<vmem>>
        %dma_start3A_135 = arith.constant 0 : i32
        %dma_start3A_136 = arith.constant 0 : i32
        %dma_start3A_137 = tpu.memref_slice %arg2[%dma_start3A_135, %dma_start3A_136] : memref<10016x32xf32, #tpu.memory_space<hbm>> -> memref<10016x32xf32, #tpu.memory_space<hbm>>
        tpu.enqueue_indirect_dma source(%dma_start3A_137 : memref<10016x32xf32, #tpu.memory_space<hbm>>) target(%arg9 : memref<80x32xf32, #tpu.memory_space<vmem>>) offsets(%dma_start3A_134 : memref<80xi32, #tpu.memory_space<vmem>>) semaphore(%arg14 : memref<!tpu.dma_semaphore, #tpu.memory_space<semaphore_mem>>)
        %sub3A = arith.constant 3 : i32
        %sub3A_138 = arith.subi %scan3A_53, %sub3A : i32
        %dma_wait3A_139 = arith.constant 0 : i32
        %dma_wait3A_140 = arith.constant 0 : i32
        %dma_wait3A_141 = tpu.memref_slice %arg5[%dma_wait3A_139, %dma_wait3A_140] : memref<10016x32xf32, #tpu.memory_space<hbm>> -> memref<80x32xf32, #tpu.memory_space<hbm>>
        %dma_wait3A_142 = arith.constant 0 : i32
        %dma_wait3A_143 = arith.constant 0 : i32
        %dma_wait3A_144 = tpu.memref_slice %arg5[%dma_wait3A_142, %dma_wait3A_143] : memref<10016x32xf32, #tpu.memory_space<hbm>> -> memref<80x32xf32, #tpu.memory_space<hbm>>
        tpu.wait_dma2 semaphore(%arg15 : memref<!tpu.dma_semaphore, #tpu.memory_space<semaphore_mem>>) src(%dma_wait3A_144 : memref<80x32xf32, #tpu.memory_space<hbm>>) dst(%arg10 : memref<80x32xf32, #tpu.memory_space<vmem>>)
        "tpu.region"() ({
          %run_scoped3A_145 = tpu.sem_alloc : memref<!tpu.dma_semaphore, #tpu.memory_space<semaphore_mem>>
          %dma_start3A_146 = arith.constant 0 : i32
          %dma_start3A_147 = tpu.memref_slice %arg8[%sub3A_138, %dma_start3A_146] : memref<125x80xi32, #tpu.memory_space<vmem>> -> memref<1x80xi32, #tpu.memory_space<vmem>>
          %dma_start3A_148 = tpu.memref_squeeze %dma_start3A_147 : memref<1x80xi32, #tpu.memory_space<vmem>> -> memref<80xi32, #tpu.memory_space<vmem>>
          %dma_start3A_149 = arith.constant 0 : i32
          %dma_start3A_150 = arith.constant 0 : i32
          %dma_start3A_151 = tpu.memref_slice %arg13[%dma_start3A_149, %dma_start3A_150] : memref<10016x32xf32, #tpu.memory_space<vmem_shared>> -> memref<10016x32xf32, #tpu.memory_space<vmem_shared>>
          tpu.enqueue_indirect_dma source(%arg10 : memref<80x32xf32, #tpu.memory_space<vmem>>) target(%dma_start3A_151 : memref<10016x32xf32, #tpu.memory_space<vmem_shared>>) offsets(%dma_start3A_148 : memref<80xi32, #tpu.memory_space<vmem>>) semaphore(%run_scoped3A_145 : memref<!tpu.dma_semaphore, #tpu.memory_space<semaphore_mem>>) {add = true}
          %dma_wait3A_152 = arith.constant 0 : i32
          %dma_wait3A_153 = tpu.memref_slice %arg8[%sub3A_138, %dma_wait3A_152] : memref<125x80xi32, #tpu.memory_space<vmem>> -> memref<1x80xi32, #tpu.memory_space<vmem>>
          %dma_wait3A_154 = tpu.memref_squeeze %dma_wait3A_153 : memref<1x80xi32, #tpu.memory_space<vmem>> -> memref<80xi32, #tpu.memory_space<vmem>>
          %dma_wait3A_155 = arith.constant 0 : i32
          %dma_wait3A_156 = arith.constant 0 : i32
          %dma_wait3A_157 = tpu.memref_slice %arg13[%dma_wait3A_155, %dma_wait3A_156] : memref<10016x32xf32, #tpu.memory_space<vmem_shared>> -> memref<10016x32xf32, #tpu.memory_space<vmem_shared>>
          tpu.wait_indirect_dma semaphore(%run_scoped3A_145 : memref<!tpu.dma_semaphore, #tpu.memory_space<semaphore_mem>>) src(%arg10 : memref<80x32xf32, #tpu.memory_space<vmem>>) dst(%dma_wait3A_157 : memref<10016x32xf32, #tpu.memory_space<vmem_shared>>)
          tpu.yield
        }) : () -> ()
      } else {
      }
      %jit3A_69 = arith.constant 4 : i32
      %eq3A_70 = arith.constant 0 : i32
      %eq3A_71 = arith.cmpi eq, %jit3A_69, %eq3A_70 : i32
      %jit3A_72 = arith.constant 1 : i32
      %select_n3A_73 = arith.select %eq3A_71, %jit3A_72, %jit3A_69 : i32
      %rem3A_74 = arith.remsi %scan3A_53, %select_n3A_73 : i32
      %ne3A_75 = arith.constant 0 : i32
      %ne3A_76 = arith.cmpi ne, %rem3A_74, %ne3A_75 : i32
      %lt3A_77 = arith.constant 0 : i32
      %lt3A_78 = arith.cmpi slt, %rem3A_74, %lt3A_77 : i32
      %lt3A_79 = arith.constant 0 : i32
      %lt3A_80 = arith.cmpi slt, %select_n3A_73, %lt3A_79 : i32
      %ne3A_81 = arith.xori %lt3A_78, %lt3A_80 : i1
      %and3A_82 = arith.andi %ne3A_81, %ne3A_76 : i1
      %add3A_83 = arith.addi %rem3A_74, %select_n3A_73 : i32
      %select_n3A_84 = arith.select %and3A_82, %add3A_83, %rem3A_74 : i32
      %eq3A_85 = arith.constant 1 : i32
      %eq3A_86 = arith.cmpi eq, %select_n3A_84, %eq3A_85 : i32
      %convert_element_type3A_87 = arith.extui %eq3A_86 : i1 to i32
      %cond3A_88 = arith.constant 0 : i32
      %cond3A_89 = arith.cmpi ne, %convert_element_type3A_87, %cond3A_88 : i32
      scf.if %cond3A_89 {
        %dma_start3A_132 = arith.constant 0 : i32
        %dma_start3A_133 = tpu.memref_slice %arg7[%scan3A_53, %dma_start3A_132] : memref<125x80xi32, #tpu.memory_space<vmem>> -> memref<1x80xi32, #tpu.memory_space<vmem>>
        %dma_start3A_134 = tpu.memref_squeeze %dma_start3A_133 : memref<1x80xi32, #tpu.memory_space<vmem>> -> memref<80xi32, #tpu.memory_space<vmem>>
        %dma_start3A_135 = arith.constant 0 : i32
        %dma_start3A_136 = arith.constant 0 : i32
        %dma_start3A_137 = tpu.memref_slice %arg2[%dma_start3A_135, %dma_start3A_136] : memref<10016x32xf32, #tpu.memory_space<hbm>> -> memref<10016x32xf32, #tpu.memory_space<hbm>>
        tpu.enqueue_indirect_dma source(%dma_start3A_137 : memref<10016x32xf32, #tpu.memory_space<hbm>>) target(%arg10 : memref<80x32xf32, #tpu.memory_space<vmem>>) offsets(%dma_start3A_134 : memref<80xi32, #tpu.memory_space<vmem>>) semaphore(%arg15 : memref<!tpu.dma_semaphore, #tpu.memory_space<semaphore_mem>>)
        %sub3A = arith.constant 3 : i32
        %sub3A_138 = arith.subi %scan3A_53, %sub3A : i32
        %dma_wait3A_139 = arith.constant 0 : i32
        %dma_wait3A_140 = arith.constant 0 : i32
        %dma_wait3A_141 = tpu.memref_slice %arg5[%dma_wait3A_139, %dma_wait3A_140] : memref<10016x32xf32, #tpu.memory_space<hbm>> -> memref<80x32xf32, #tpu.memory_space<hbm>>
        %dma_wait3A_142 = arith.constant 0 : i32
        %dma_wait3A_143 = arith.constant 0 : i32
        %dma_wait3A_144 = tpu.memref_slice %arg5[%dma_wait3A_142, %dma_wait3A_143] : memref<10016x32xf32, #tpu.memory_space<hbm>> -> memref<80x32xf32, #tpu.memory_space<hbm>>
        tpu.wait_dma2 semaphore(%arg16 : memref<!tpu.dma_semaphore, #tpu.memory_space<semaphore_mem>>) src(%dma_wait3A_144 : memref<80x32xf32, #tpu.memory_space<hbm>>) dst(%arg11 : memref<80x32xf32, #tpu.memory_space<vmem>>)
        "tpu.region"() ({
          %run_scoped3A_145 = tpu.sem_alloc : memref<!tpu.dma_semaphore, #tpu.memory_space<semaphore_mem>>
          %dma_start3A_146 = arith.constant 0 : i32
          %dma_start3A_147 = tpu.memref_slice %arg8[%sub3A_138, %dma_start3A_146] : memref<125x80xi32, #tpu.memory_space<vmem>> -> memref<1x80xi32, #tpu.memory_space<vmem>>
          %dma_start3A_148 = tpu.memref_squeeze %dma_start3A_147 : memref<1x80xi32, #tpu.memory_space<vmem>> -> memref<80xi32, #tpu.memory_space<vmem>>
          %dma_start3A_149 = arith.constant 0 : i32
          %dma_start3A_150 = arith.constant 0 : i32
          %dma_start3A_151 = tpu.memref_slice %arg13[%dma_start3A_149, %dma_start3A_150] : memref<10016x32xf32, #tpu.memory_space<vmem_shared>> -> memref<10016x32xf32, #tpu.memory_space<vmem_shared>>
          tpu.enqueue_indirect_dma source(%arg11 : memref<80x32xf32, #tpu.memory_space<vmem>>) target(%dma_start3A_151 : memref<10016x32xf32, #tpu.memory_space<vmem_shared>>) offsets(%dma_start3A_148 : memref<80xi32, #tpu.memory_space<vmem>>) semaphore(%run_scoped3A_145 : memref<!tpu.dma_semaphore, #tpu.memory_space<semaphore_mem>>) {add = true}
          %dma_wait3A_152 = arith.constant 0 : i32
          %dma_wait3A_153 = tpu.memref_slice %arg8[%sub3A_138, %dma_wait3A_152] : memref<125x80xi32, #tpu.memory_space<vmem>> -> memref<1x80xi32, #tpu.memory_space<vmem>>
          %dma_wait3A_154 = tpu.memref_squeeze %dma_wait3A_153 : memref<1x80xi32, #tpu.memory_space<vmem>> -> memref<80xi32, #tpu.memory_space<vmem>>
          %dma_wait3A_155 = arith.constant 0 : i32
          %dma_wait3A_156 = arith.constant 0 : i32
          %dma_wait3A_157 = tpu.memref_slice %arg13[%dma_wait3A_155, %dma_wait3A_156] : memref<10016x32xf32, #tpu.memory_space<vmem_shared>> -> memref<10016x32xf32, #tpu.memory_space<vmem_shared>>
          tpu.wait_indirect_dma semaphore(%run_scoped3A_145 : memref<!tpu.dma_semaphore, #tpu.memory_space<semaphore_mem>>) src(%arg11 : memref<80x32xf32, #tpu.memory_space<vmem>>) dst(%dma_wait3A_157 : memref<10016x32xf32, #tpu.memory_space<vmem_shared>>)
          tpu.yield
        }) : () -> ()
      } else {
      }
      %jit3A_90 = arith.constant 4 : i32
      %eq3A_91 = arith.constant 0 : i32
      %eq3A_92 = arith.cmpi eq, %jit3A_90, %eq3A_91 : i32
      %jit3A_93 = arith.constant 1 : i32
      %select_n3A_94 = arith.select %eq3A_92, %jit3A_93, %jit3A_90 : i32
      %rem3A_95 = arith.remsi %scan3A_53, %select_n3A_94 : i32
      %ne3A_96 = arith.constant 0 : i32
      %ne3A_97 = arith.cmpi ne, %rem3A_95, %ne3A_96 : i32
      %lt3A_98 = arith.constant 0 : i32
      %lt3A_99 = arith.cmpi slt, %rem3A_95, %lt3A_98 : i32
      %lt3A_100 = arith.constant 0 : i32
      %lt3A_101 = arith.cmpi slt, %select_n3A_94, %lt3A_100 : i32
      %ne3A_102 = arith.xori %lt3A_99, %lt3A_101 : i1
      %and3A_103 = arith.andi %ne3A_102, %ne3A_97 : i1
      %add3A_104 = arith.addi %rem3A_95, %select_n3A_94 : i32
      %select_n3A_105 = arith.select %and3A_103, %add3A_104, %rem3A_95 : i32
      %eq3A_106 = arith.constant 2 : i32
      %eq3A_107 = arith.cmpi eq, %select_n3A_105, %eq3A_106 : i32
      %convert_element_type3A_108 = arith.extui %eq3A_107 : i1 to i32
      %cond3A_109 = arith.constant 0 : i32
      %cond3A_110 = arith.cmpi ne, %convert_element_type3A_108, %cond3A_109 : i32
      scf.if %cond3A_110 {
        %dma_start3A_132 = arith.constant 0 : i32
        %dma_start3A_133 = tpu.memref_slice %arg7[%scan3A_53, %dma_start3A_132] : memref<125x80xi32, #tpu.memory_space<vmem>> -> memref<1x80xi32, #tpu.memory_space<vmem>>
        %dma_start3A_134 = tpu.memref_squeeze %dma_start3A_133 : memref<1x80xi32, #tpu.memory_space<vmem>> -> memref<80xi32, #tpu.memory_space<vmem>>
        %dma_start3A_135 = arith.constant 0 : i32
        %dma_start3A_136 = arith.constant 0 : i32
        %dma_start3A_137 = tpu.memref_slice %arg2[%dma_start3A_135, %dma_start3A_136] : memref<10016x32xf32, #tpu.memory_space<hbm>> -> memref<10016x32xf32, #tpu.memory_space<hbm>>
        tpu.enqueue_indirect_dma source(%dma_start3A_137 : memref<10016x32xf32, #tpu.memory_space<hbm>>) target(%arg11 : memref<80x32xf32, #tpu.memory_space<vmem>>) offsets(%dma_start3A_134 : memref<80xi32, #tpu.memory_space<vmem>>) semaphore(%arg16 : memref<!tpu.dma_semaphore, #tpu.memory_space<semaphore_mem>>)
        %sub3A = arith.constant 3 : i32
        %sub3A_138 = arith.subi %scan3A_53, %sub3A : i32
        %dma_wait3A_139 = arith.constant 0 : i32
        %dma_wait3A_140 = arith.constant 0 : i32
        %dma_wait3A_141 = tpu.memref_slice %arg5[%dma_wait3A_139, %dma_wait3A_140] : memref<10016x32xf32, #tpu.memory_space<hbm>> -> memref<80x32xf32, #tpu.memory_space<hbm>>
        %dma_wait3A_142 = arith.constant 0 : i32
        %dma_wait3A_143 = arith.constant 0 : i32
        %dma_wait3A_144 = tpu.memref_slice %arg5[%dma_wait3A_142, %dma_wait3A_143] : memref<10016x32xf32, #tpu.memory_space<hbm>> -> memref<80x32xf32, #tpu.memory_space<hbm>>
        tpu.wait_dma2 semaphore(%arg17 : memref<!tpu.dma_semaphore, #tpu.memory_space<semaphore_mem>>) src(%dma_wait3A_144 : memref<80x32xf32, #tpu.memory_space<hbm>>) dst(%arg12 : memref<80x32xf32, #tpu.memory_space<vmem>>)
        "tpu.region"() ({
          %run_scoped3A_145 = tpu.sem_alloc : memref<!tpu.dma_semaphore, #tpu.memory_space<semaphore_mem>>
          %dma_start3A_146 = arith.constant 0 : i32
          %dma_start3A_147 = tpu.memref_slice %arg8[%sub3A_138, %dma_start3A_146] : memref<125x80xi32, #tpu.memory_space<vmem>> -> memref<1x80xi32, #tpu.memory_space<vmem>>
          %dma_start3A_148 = tpu.memref_squeeze %dma_start3A_147 : memref<1x80xi32, #tpu.memory_space<vmem>> -> memref<80xi32, #tpu.memory_space<vmem>>
          %dma_start3A_149 = arith.constant 0 : i32
          %dma_start3A_150 = arith.constant 0 : i32
          %dma_start3A_151 = tpu.memref_slice %arg13[%dma_start3A_149, %dma_start3A_150] : memref<10016x32xf32, #tpu.memory_space<vmem_shared>> -> memref<10016x32xf32, #tpu.memory_space<vmem_shared>>
          tpu.enqueue_indirect_dma source(%arg12 : memref<80x32xf32, #tpu.memory_space<vmem>>) target(%dma_start3A_151 : memref<10016x32xf32, #tpu.memory_space<vmem_shared>>) offsets(%dma_start3A_148 : memref<80xi32, #tpu.memory_space<vmem>>) semaphore(%run_scoped3A_145 : memref<!tpu.dma_semaphore, #tpu.memory_space<semaphore_mem>>) {add = true}
          %dma_wait3A_152 = arith.constant 0 : i32
          %dma_wait3A_153 = tpu.memref_slice %arg8[%sub3A_138, %dma_wait3A_152] : memref<125x80xi32, #tpu.memory_space<vmem>> -> memref<1x80xi32, #tpu.memory_space<vmem>>
          %dma_wait3A_154 = tpu.memref_squeeze %dma_wait3A_153 : memref<1x80xi32, #tpu.memory_space<vmem>> -> memref<80xi32, #tpu.memory_space<vmem>>
          %dma_wait3A_155 = arith.constant 0 : i32
          %dma_wait3A_156 = arith.constant 0 : i32
          %dma_wait3A_157 = tpu.memref_slice %arg13[%dma_wait3A_155, %dma_wait3A_156] : memref<10016x32xf32, #tpu.memory_space<vmem_shared>> -> memref<10016x32xf32, #tpu.memory_space<vmem_shared>>
          tpu.wait_indirect_dma semaphore(%run_scoped3A_145 : memref<!tpu.dma_semaphore, #tpu.memory_space<semaphore_mem>>) src(%arg12 : memref<80x32xf32, #tpu.memory_space<vmem>>) dst(%dma_wait3A_157 : memref<10016x32xf32, #tpu.memory_space<vmem_shared>>)
          tpu.yield
        }) : () -> ()
      } else {
      }
      %jit3A_111 = arith.constant 4 : i32
      %eq3A_112 = arith.constant 0 : i32
      %eq3A_113 = arith.cmpi eq, %jit3A_111, %eq3A_112 : i32
      %jit3A_114 = arith.constant 1 : i32
      %select_n3A_115 = arith.select %eq3A_113, %jit3A_114, %jit3A_111 : i32
      %rem3A_116 = arith.remsi %scan3A_53, %select_n3A_115 : i32
      %ne3A_117 = arith.constant 0 : i32
      %ne3A_118 = arith.cmpi ne, %rem3A_116, %ne3A_117 : i32
      %lt3A_119 = arith.constant 0 : i32
      %lt3A_120 = arith.cmpi slt, %rem3A_116, %lt3A_119 : i32
      %lt3A_121 = arith.constant 0 : i32
      %lt3A_122 = arith.cmpi slt, %select_n3A_115, %lt3A_121 : i32
      %ne3A_123 = arith.xori %lt3A_120, %lt3A_122 : i1
      %and3A_124 = arith.andi %ne3A_123, %ne3A_118 : i1
      %add3A_125 = arith.addi %rem3A_116, %select_n3A_115 : i32
      %select_n3A_126 = arith.select %and3A_124, %add3A_125, %rem3A_116 : i32
      %eq3A_127 = arith.constant 3 : i32
      %eq3A_128 = arith.cmpi eq, %select_n3A_126, %eq3A_127 : i32
      %convert_element_type3A_129 = arith.extui %eq3A_128 : i1 to i32
      %cond3A_130 = arith.constant 0 : i32
      %cond3A_131 = arith.cmpi ne, %convert_element_type3A_129, %cond3A_130 : i32
      scf.if %cond3A_131 {
        %dma_start3A_132 = arith.constant 0 : i32
        %dma_start3A_133 = tpu.memref_slice %arg7[%scan3A_53, %dma_start3A_132] : memref<125x80xi32, #tpu.memory_space<vmem>> -> memref<1x80xi32, #tpu.memory_space<vmem>>
        %dma_start3A_134 = tpu.memref_squeeze %dma_start3A_133 : memref<1x80xi32, #tpu.memory_space<vmem>> -> memref<80xi32, #tpu.memory_space<vmem>>
        %dma_start3A_135 = arith.constant 0 : i32
        %dma_start3A_136 = arith.constant 0 : i32
        %dma_start3A_137 = tpu.memref_slice %arg2[%dma_start3A_135, %dma_start3A_136] : memref<10016x32xf32, #tpu.memory_space<hbm>> -> memref<10016x32xf32, #tpu.memory_space<hbm>>
        tpu.enqueue_indirect_dma source(%dma_start3A_137 : memref<10016x32xf32, #tpu.memory_space<hbm>>) target(%arg12 : memref<80x32xf32, #tpu.memory_space<vmem>>) offsets(%dma_start3A_134 : memref<80xi32, #tpu.memory_space<vmem>>) semaphore(%arg17 : memref<!tpu.dma_semaphore, #tpu.memory_space<semaphore_mem>>)
        %sub3A = arith.constant 3 : i32
        %sub3A_138 = arith.subi %scan3A_53, %sub3A : i32
        %dma_wait3A_139 = arith.constant 0 : i32
        %dma_wait3A_140 = arith.constant 0 : i32
        %dma_wait3A_141 = tpu.memref_slice %arg5[%dma_wait3A_139, %dma_wait3A_140] : memref<10016x32xf32, #tpu.memory_space<hbm>> -> memref<80x32xf32, #tpu.memory_space<hbm>>
        %dma_wait3A_142 = arith.constant 0 : i32
        %dma_wait3A_143 = arith.constant 0 : i32
        %dma_wait3A_144 = tpu.memref_slice %arg5[%dma_wait3A_142, %dma_wait3A_143] : memref<10016x32xf32, #tpu.memory_space<hbm>> -> memref<80x32xf32, #tpu.memory_space<hbm>>
        tpu.wait_dma2 semaphore(%arg14 : memref<!tpu.dma_semaphore, #tpu.memory_space<semaphore_mem>>) src(%dma_wait3A_144 : memref<80x32xf32, #tpu.memory_space<hbm>>) dst(%arg9 : memref<80x32xf32, #tpu.memory_space<vmem>>)
        "tpu.region"() ({
          %run_scoped3A_145 = tpu.sem_alloc : memref<!tpu.dma_semaphore, #tpu.memory_space<semaphore_mem>>
          %dma_start3A_146 = arith.constant 0 : i32
          %dma_start3A_147 = tpu.memref_slice %arg8[%sub3A_138, %dma_start3A_146] : memref<125x80xi32, #tpu.memory_space<vmem>> -> memref<1x80xi32, #tpu.memory_space<vmem>>
          %dma_start3A_148 = tpu.memref_squeeze %dma_start3A_147 : memref<1x80xi32, #tpu.memory_space<vmem>> -> memref<80xi32, #tpu.memory_space<vmem>>
          %dma_start3A_149 = arith.constant 0 : i32
          %dma_start3A_150 = arith.constant 0 : i32
          %dma_start3A_151 = tpu.memref_slice %arg13[%dma_start3A_149, %dma_start3A_150] : memref<10016x32xf32, #tpu.memory_space<vmem_shared>> -> memref<10016x32xf32, #tpu.memory_space<vmem_shared>>
          tpu.enqueue_indirect_dma source(%arg9 : memref<80x32xf32, #tpu.memory_space<vmem>>) target(%dma_start3A_151 : memref<10016x32xf32, #tpu.memory_space<vmem_shared>>) offsets(%dma_start3A_148 : memref<80xi32, #tpu.memory_space<vmem>>) semaphore(%run_scoped3A_145 : memref<!tpu.dma_semaphore, #tpu.memory_space<semaphore_mem>>) {add = true}
          %dma_wait3A_152 = arith.constant 0 : i32
          %dma_wait3A_153 = tpu.memref_slice %arg8[%sub3A_138, %dma_wait3A_152] : memref<125x80xi32, #tpu.memory_space<vmem>> -> memref<1x80xi32, #tpu.memory_space<vmem>>
          %dma_wait3A_154 = tpu.memref_squeeze %dma_wait3A_153 : memref<1x80xi32, #tpu.memory_space<vmem>> -> memref<80xi32, #tpu.memory_space<vmem>>
          %dma_wait3A_155 = arith.constant 0 : i32
          %dma_wait3A_156 = arith.constant 0 : i32
          %dma_wait3A_157 = tpu.memref_slice %arg13[%dma_wait3A_155, %dma_wait3A_156] : memref<10016x32xf32, #tpu.memory_space<vmem_shared>> -> memref<10016x32xf32, #tpu.memory_space<vmem_shared>>
          tpu.wait_indirect_dma semaphore(%run_scoped3A_145 : memref<!tpu.dma_semaphore, #tpu.memory_space<semaphore_mem>>) src(%arg9 : memref<80x32xf32, #tpu.memory_space<vmem>>) dst(%dma_wait3A_157 : memref<10016x32xf32, #tpu.memory_space<vmem_shared>>)
          tpu.yield
        }) : () -> ()
      } else {
      }
    }
    %scan3A_27 = arith.constant 122 : i32
    %dma_wait3A = arith.constant 0 : i32
    %dma_wait3A_28 = arith.constant 0 : i32
    %dma_wait3A_29 = tpu.memref_slice %arg5[%dma_wait3A, %dma_wait3A_28] : memref<10016x32xf32, #tpu.memory_space<hbm>> -> memref<80x32xf32, #tpu.memory_space<hbm>>
    %dma_wait3A_30 = arith.constant 0 : i32
    %dma_wait3A_31 = arith.constant 0 : i32
    %dma_wait3A_32 = tpu.memref_slice %arg5[%dma_wait3A_30, %dma_wait3A_31] : memref<10016x32xf32, #tpu.memory_space<hbm>> -> memref<80x32xf32, #tpu.memory_space<hbm>>
    tpu.wait_dma2 semaphore(%arg16 : memref<!tpu.dma_semaphore, #tpu.memory_space<semaphore_mem>>) src(%dma_wait3A_32 : memref<80x32xf32, #tpu.memory_space<hbm>>) dst(%arg11 : memref<80x32xf32, #tpu.memory_space<vmem>>)
    %run_scoped3A = arith.constant 122 : i32
    "tpu.region"() ({
      %run_scoped3A_53 = tpu.sem_alloc : memref<!tpu.dma_semaphore, #tpu.memory_space<semaphore_mem>>
      %dma_start3A_54 = arith.constant 0 : i32
      %dma_start3A_55 = tpu.memref_slice %arg8[%run_scoped3A, %dma_start3A_54] : memref<125x80xi32, #tpu.memory_space<vmem>> -> memref<1x80xi32, #tpu.memory_space<vmem>>
      %dma_start3A_56 = tpu.memref_squeeze %dma_start3A_55 : memref<1x80xi32, #tpu.memory_space<vmem>> -> memref<80xi32, #tpu.memory_space<vmem>>
      %dma_start3A_57 = arith.constant 0 : i32
      %dma_start3A_58 = arith.constant 0 : i32
      %dma_start3A_59 = tpu.memref_slice %arg13[%dma_start3A_57, %dma_start3A_58] : memref<10016x32xf32, #tpu.memory_space<vmem_shared>> -> memref<10016x32xf32, #tpu.memory_space<vmem_shared>>
      tpu.enqueue_indirect_dma source(%arg11 : memref<80x32xf32, #tpu.memory_space<vmem>>) target(%dma_start3A_59 : memref<10016x32xf32, #tpu.memory_space<vmem_shared>>) offsets(%dma_start3A_56 : memref<80xi32, #tpu.memory_space<vmem>>) semaphore(%run_scoped3A_53 : memref<!tpu.dma_semaphore, #tpu.memory_space<semaphore_mem>>) {add = true}
      %dma_wait3A_60 = arith.constant 0 : i32
      %dma_wait3A_61 = tpu.memref_slice %arg8[%run_scoped3A, %dma_wait3A_60] : memref<125x80xi32, #tpu.memory_space<vmem>> -> memref<1x80xi32, #tpu.memory_space<vmem>>
      %dma_wait3A_62 = tpu.memref_squeeze %dma_wait3A_61 : memref<1x80xi32, #tpu.memory_space<vmem>> -> memref<80xi32, #tpu.memory_space<vmem>>
      %dma_wait3A_63 = arith.constant 0 : i32
      %dma_wait3A_64 = arith.constant 0 : i32
      %dma_wait3A_65 = tpu.memref_slice %arg13[%dma_wait3A_63, %dma_wait3A_64] : memref<10016x32xf32, #tpu.memory_space<vmem_shared>> -> memref<10016x32xf32, #tpu.memory_space<vmem_shared>>
      tpu.wait_indirect_dma semaphore(%run_scoped3A_53 : memref<!tpu.dma_semaphore, #tpu.memory_space<semaphore_mem>>) src(%arg11 : memref<80x32xf32, #tpu.memory_space<vmem>>) dst(%dma_wait3A_65 : memref<10016x32xf32, #tpu.memory_space<vmem_shared>>)
      tpu.yield
    }) : () -> ()
    %dma_wait3A_33 = arith.constant 0 : i32
    %dma_wait3A_34 = arith.constant 0 : i32
    %dma_wait3A_35 = tpu.memref_slice %arg5[%dma_wait3A_33, %dma_wait3A_34] : memref<10016x32xf32, #tpu.memory_space<hbm>> -> memref<80x32xf32, #tpu.memory_space<hbm>>
    %dma_wait3A_36 = arith.constant 0 : i32
    %dma_wait3A_37 = arith.constant 0 : i32
    %dma_wait3A_38 = tpu.memref_slice %arg5[%dma_wait3A_36, %dma_wait3A_37] : memref<10016x32xf32, #tpu.memory_space<hbm>> -> memref<80x32xf32, #tpu.memory_space<hbm>>
    tpu.wait_dma2 semaphore(%arg17 : memref<!tpu.dma_semaphore, #tpu.memory_space<semaphore_mem>>) src(%dma_wait3A_38 : memref<80x32xf32, #tpu.memory_space<hbm>>) dst(%arg12 : memref<80x32xf32, #tpu.memory_space<vmem>>)
    %run_scoped3A_39 = arith.constant 123 : i32
    "tpu.region"() ({
      %run_scoped3A_53 = tpu.sem_alloc : memref<!tpu.dma_semaphore, #tpu.memory_space<semaphore_mem>>
      %dma_start3A_54 = arith.constant 0 : i32
      %dma_start3A_55 = tpu.memref_slice %arg8[%run_scoped3A_39, %dma_start3A_54] : memref<125x80xi32, #tpu.memory_space<vmem>> -> memref<1x80xi32, #tpu.memory_space<vmem>>
      %dma_start3A_56 = tpu.memref_squeeze %dma_start3A_55 : memref<1x80xi32, #tpu.memory_space<vmem>> -> memref<80xi32, #tpu.memory_space<vmem>>
      %dma_start3A_57 = arith.constant 0 : i32
      %dma_start3A_58 = arith.constant 0 : i32
      %dma_start3A_59 = tpu.memref_slice %arg13[%dma_start3A_57, %dma_start3A_58] : memref<10016x32xf32, #tpu.memory_space<vmem_shared>> -> memref<10016x32xf32, #tpu.memory_space<vmem_shared>>
      tpu.enqueue_indirect_dma source(%arg12 : memref<80x32xf32, #tpu.memory_space<vmem>>) target(%dma_start3A_59 : memref<10016x32xf32, #tpu.memory_space<vmem_shared>>) offsets(%dma_start3A_56 : memref<80xi32, #tpu.memory_space<vmem>>) semaphore(%run_scoped3A_53 : memref<!tpu.dma_semaphore, #tpu.memory_space<semaphore_mem>>) {add = true}
      %dma_wait3A_60 = arith.constant 0 : i32
      %dma_wait3A_61 = tpu.memref_slice %arg8[%run_scoped3A_39, %dma_wait3A_60] : memref<125x80xi32, #tpu.memory_space<vmem>> -> memref<1x80xi32, #tpu.memory_space<vmem>>
      %dma_wait3A_62 = tpu.memref_squeeze %dma_wait3A_61 : memref<1x80xi32, #tpu.memory_space<vmem>> -> memref<80xi32, #tpu.memory_space<vmem>>
      %dma_wait3A_63 = arith.constant 0 : i32
      %dma_wait3A_64 = arith.constant 0 : i32
      %dma_wait3A_65 = tpu.memref_slice %arg13[%dma_wait3A_63, %dma_wait3A_64] : memref<10016x32xf32, #tpu.memory_space<vmem_shared>> -> memref<10016x32xf32, #tpu.memory_space<vmem_shared>>
      tpu.wait_indirect_dma semaphore(%run_scoped3A_53 : memref<!tpu.dma_semaphore, #tpu.memory_space<semaphore_mem>>) src(%arg12 : memref<80x32xf32, #tpu.memory_space<vmem>>) dst(%dma_wait3A_65 : memref<10016x32xf32, #tpu.memory_space<vmem_shared>>)
      tpu.yield
    }) : () -> ()
    %dma_wait3A_40 = arith.constant 0 : i32
    %dma_wait3A_41 = arith.constant 0 : i32
    %dma_wait3A_42 = tpu.memref_slice %arg5[%dma_wait3A_40, %dma_wait3A_41] : memref<10016x32xf32, #tpu.memory_space<hbm>> -> memref<80x32xf32, #tpu.memory_space<hbm>>
    %dma_wait3A_43 = arith.constant 0 : i32
    %dma_wait3A_44 = arith.constant 0 : i32
    %dma_wait3A_45 = tpu.memref_slice %arg5[%dma_wait3A_43, %dma_wait3A_44] : memref<10016x32xf32, #tpu.memory_space<hbm>> -> memref<80x32xf32, #tpu.memory_space<hbm>>
    tpu.wait_dma2 semaphore(%arg14 : memref<!tpu.dma_semaphore, #tpu.memory_space<semaphore_mem>>) src(%dma_wait3A_45 : memref<80x32xf32, #tpu.memory_space<hbm>>) dst(%arg9 : memref<80x32xf32, #tpu.memory_space<vmem>>)
    %run_scoped3A_46 = arith.constant 124 : i32
    "tpu.region"() ({
      %run_scoped3A_53 = tpu.sem_alloc : memref<!tpu.dma_semaphore, #tpu.memory_space<semaphore_mem>>
      %dma_start3A_54 = arith.constant 0 : i32
      %dma_start3A_55 = tpu.memref_slice %arg8[%run_scoped3A_46, %dma_start3A_54] : memref<125x80xi32, #tpu.memory_space<vmem>> -> memref<1x80xi32, #tpu.memory_space<vmem>>
      %dma_start3A_56 = tpu.memref_squeeze %dma_start3A_55 : memref<1x80xi32, #tpu.memory_space<vmem>> -> memref<80xi32, #tpu.memory_space<vmem>>
      %dma_start3A_57 = arith.constant 0 : i32
      %dma_start3A_58 = arith.constant 0 : i32
      %dma_start3A_59 = tpu.memref_slice %arg13[%dma_start3A_57, %dma_start3A_58] : memref<10016x32xf32, #tpu.memory_space<vmem_shared>> -> memref<10016x32xf32, #tpu.memory_space<vmem_shared>>
      tpu.enqueue_indirect_dma source(%arg9 : memref<80x32xf32, #tpu.memory_space<vmem>>) target(%dma_start3A_59 : memref<10016x32xf32, #tpu.memory_space<vmem_shared>>) offsets(%dma_start3A_56 : memref<80xi32, #tpu.memory_space<vmem>>) semaphore(%run_scoped3A_53 : memref<!tpu.dma_semaphore, #tpu.memory_space<semaphore_mem>>) {add = true}
      %dma_wait3A_60 = arith.constant 0 : i32
      %dma_wait3A_61 = tpu.memref_slice %arg8[%run_scoped3A_46, %dma_wait3A_60] : memref<125x80xi32, #tpu.memory_space<vmem>> -> memref<1x80xi32, #tpu.memory_space<vmem>>
      %dma_wait3A_62 = tpu.memref_squeeze %dma_wait3A_61 : memref<1x80xi32, #tpu.memory_space<vmem>> -> memref<80xi32, #tpu.memory_space<vmem>>
      %dma_wait3A_63 = arith.constant 0 : i32
      %dma_wait3A_64 = arith.constant 0 : i32
      %dma_wait3A_65 = tpu.memref_slice %arg13[%dma_wait3A_63, %dma_wait3A_64] : memref<10016x32xf32, #tpu.memory_space<vmem_shared>> -> memref<10016x32xf32, #tpu.memory_space<vmem_shared>>
      tpu.wait_indirect_dma semaphore(%run_scoped3A_53 : memref<!tpu.dma_semaphore, #tpu.memory_space<semaphore_mem>>) src(%arg9 : memref<80x32xf32, #tpu.memory_space<vmem>>) dst(%dma_wait3A_65 : memref<10016x32xf32, #tpu.memory_space<vmem_shared>>)
      tpu.yield
    }) : () -> ()
    %barrier3A_47 = arith.constant 0 : index
    tpu.barrier barrier_id(%barrier3A_47)
    %eq3A_48 = arith.constant 0 : i32
    %eq3A_49 = arith.cmpi eq, %arg1, %eq3A_48 : i32
    %convert_element_type3A_50 = arith.extui %eq3A_49 : i1 to i32
    %cond3A_51 = arith.constant 0 : i32
    %cond3A_52 = arith.cmpi ne, %convert_element_type3A_50, %cond3A_51 : i32
    scf.if %cond3A_52 {
      "tpu.region"() ({
        %run_scoped3A_53 = tpu.sem_alloc : memref<!tpu.dma_semaphore, #tpu.memory_space<semaphore_mem>>
        %dma_start3A_54 = arith.constant 0 : i32
        %dma_start3A_55 = arith.constant 0 : i32
        %dma_start3A_56 = tpu.memref_slice %arg6[%arg0, %dma_start3A_54, %dma_start3A_55] : memref<2x10016x32xf32, #tpu.memory_space<hbm>> -> memref<1x10016x32xf32, #tpu.memory_space<hbm>>
        %dma_start3A_57 = tpu.memref_squeeze %dma_start3A_56 : memref<1x10016x32xf32, #tpu.memory_space<hbm>> -> memref<10016x32xf32, #tpu.memory_space<hbm>>
        tpu.enqueue_dma source(%arg13 : memref<10016x32xf32, #tpu.memory_space<vmem_shared>>) target(%dma_start3A_57 : memref<10016x32xf32, #tpu.memory_space<hbm>>) target_semaphore(%run_scoped3A_53 : memref<!tpu.dma_semaphore, #tpu.memory_space<semaphore_mem>>)
        %dma_wait3A_58 = arith.constant 0 : i32
        %dma_wait3A_59 = arith.constant 0 : i32
        %dma_wait3A_60 = tpu.memref_slice %arg6[%arg0, %dma_wait3A_58, %dma_wait3A_59] : memref<2x10016x32xf32, #tpu.memory_space<hbm>> -> memref<1x10016x32xf32, #tpu.memory_space<hbm>>
        %dma_wait3A_61 = tpu.memref_squeeze %dma_wait3A_60 : memref<1x10016x32xf32, #tpu.memory_space<hbm>> -> memref<10016x32xf32, #tpu.memory_space<hbm>>
        tpu.wait_dma2 semaphore(%run_scoped3A_53 : memref<!tpu.dma_semaphore, #tpu.memory_space<semaphore_mem>>) src(%arg13 : memref<10016x32xf32, #tpu.memory_space<vmem_shared>>) dst(%dma_wait3A_61 : memref<10016x32xf32, #tpu.memory_space<hbm>>)
        tpu.yield
      }) : () -> ()
    } else {
    }
    return
  }
}

module attributes {stable_mosaic.version = 14 : i64} {
  func.func @_prep_body(%arg0: memref<10016x128xf32, #tpu.memory_space<vmem>>, %arg1: memref<128x16xf32, #tpu.memory_space<vmem>>, %arg2: memref<128x16xf32, #tpu.memory_space<vmem>>, %arg3: memref<10016x32xf32, #tpu.memory_space<vmem>>, %arg4: memref<10016x16xf32, #tpu.memory_space<vmem>>) attributes {dimension_semantics = [], scalar_prefetch = 0 : i64, scratch_operands = 0 : i64, tpu.core_type = #tpu.core_type<tc>} {
    %get3A = arith.constant 0 : index
    %get3A_0 = arith.constant 0 : index
    %get3A_1 = vector.load %arg0[%get3A, %get3A_0] : memref<10016x128xf32, #tpu.memory_space<vmem>>, vector<10016x128xf32>
    %get3A_2 = arith.constant 0 : index
    %get3A_3 = arith.constant 0 : index
    %get3A_4 = vector.load %arg1[%get3A_2, %get3A_3] : memref<128x16xf32, #tpu.memory_space<vmem>>, vector<128x16xf32>
    %dot_general3A = arith.constant dense<0.000000e+00> : vector<10016x16xf32>
    %dot_general3A_5 = tpu.matmul %get3A_1, %get3A_4, %dot_general3A {dimension_numbers = #tpu.dot_dimension_numbers<[1], [0], [0], [1], [0, 0, 1, 1], [], []>, transpose_lhs_hint = false} : vector<10016x128xf32>, vector<128x16xf32>, vector<10016x16xf32> -> vector<10016x16xf32>
    %broadcast_in_dim3A = arith.constant 1.000000e+00 : f32
    %broadcast_in_dim3A_6 = vector.broadcast %broadcast_in_dim3A : f32 to vector<10016x16xf32>
    %concatenate3A = tpu.concatenate %dot_general3A_5, %broadcast_in_dim3A_6 in 1 : vector<10016x16xf32>, vector<10016x16xf32> -> vector<10016x32xf32>
    %swap3A = arith.constant 0 : index
    %swap3A_7 = arith.constant 0 : index
    %swap3A_8 = vector.load %arg3[%swap3A, %swap3A_7] : memref<10016x32xf32, #tpu.memory_space<vmem>>, vector<10016x32xf32>
    tpu.vector_store %arg3[%swap3A, %swap3A_7], %concatenate3A {strides = array<i32>} : memref<10016x32xf32, #tpu.memory_space<vmem>>, vector<10016x32xf32>,
    %get3A_9 = arith.constant 0 : index
    %get3A_10 = arith.constant 0 : index
    %get3A_11 = vector.load %arg2[%get3A_9, %get3A_10] : memref<128x16xf32, #tpu.memory_space<vmem>>, vector<128x16xf32>
    %dot_general3A_12 = arith.constant dense<0.000000e+00> : vector<10016x16xf32>
    %dot_general3A_13 = tpu.matmul %get3A_1, %get3A_11, %dot_general3A_12 {dimension_numbers = #tpu.dot_dimension_numbers<[1], [0], [0], [1], [0, 0, 1, 1], [], []>, transpose_lhs_hint = false} : vector<10016x128xf32>, vector<128x16xf32>, vector<10016x16xf32> -> vector<10016x16xf32>
    %swap3A_14 = arith.constant 0 : index
    %swap3A_15 = arith.constant 0 : index
    %swap3A_16 = vector.load %arg4[%swap3A_14, %swap3A_15] : memref<10016x16xf32, #tpu.memory_space<vmem>>, vector<10016x16xf32>
    tpu.vector_store %arg4[%swap3A_14, %swap3A_15], %dot_general3A_13 {strides = array<i32>} : memref<10016x16xf32, #tpu.memory_space<vmem>>, vector<10016x16xf32>,
    return
  }
}

module attributes {stable_mosaic.version = 14 : i64} {
  func.func @_quant_body(%arg0: i32, %arg1: memref<256x10016xf32, #tpu.memory_space<vmem>>, %arg2: memref<256x10016xf8E4M3FN, #tpu.memory_space<vmem>>, %arg3: memref<256x16xf32, #tpu.memory_space<vmem>>, %arg4: memref<256x16xf32, #tpu.memory_space<vmem>>) attributes {dimension_semantics = [#tpu.dimension_semantics<arbitrary>], iteration_bounds = array<i64: 40>, scalar_prefetch = 0 : i64, scratch_operands = 0 : i64, tpu.core_type = #tpu.core_type<tc>, window_params = [{transform_indices = @transform_0, window_bounds = array<i64: 256, 10016>}, {transform_indices = @transform_1, window_bounds = array<i64: 256, 10016>}, {transform_indices = @transform_2, window_bounds = array<i64: 256, 16>}, {transform_indices = @transform_3, window_bounds = array<i64: 256, 16>}]} {
    %get3A = arith.constant 0 : index
    %get3A_0 = arith.constant 0 : index
    %get3A_1 = vector.load %arg1[%get3A, %get3A_0] : memref<256x10016xf32, #tpu.memory_space<vmem>>, vector<256x10016xf32>
    %reduce_max3A = arith.constant dense<0xFF800000> : vector<256xf32>
    %reduce_max3A_2 = vector.multi_reduction <maximumf>, %get3A_1, %reduce_max3A [1] : vector<256x10016xf32> to vector<256xf32>
    %broadcast_in_dim3A = vector.shape_cast %reduce_max3A_2 : vector<256xf32> to vector<256x1xf32>
    %max3A = arith.constant 1.000000e-30 : f32
    %max3A_3 = vector.broadcast %max3A : f32 to vector<256x1xf32>
    %max3A_4 = arith.maximumf %broadcast_in_dim3A, %max3A_3 : vector<256x1xf32>
    %div3A = arith.constant 4.480000e+02 : f32
    %div3A_5 = vector.broadcast %div3A : f32 to vector<256x1xf32>
    %div3A_6 = arith.divf %div3A_5, %max3A_4 : vector<256x1xf32>
    %mul3A = vector.broadcast %div3A_6 : vector<256x1xf32> to vector<256x10016xf32>
    %mul3A_7 = arith.mulf %get3A_1, %mul3A : vector<256x10016xf32>
    %convert_element_type3A = arith.truncf %mul3A_7 : vector<256x10016xf32> to vector<256x10016xf8E4M3FN>
    %swap3A = arith.constant 0 : index
    %swap3A_8 = arith.constant 0 : index
    %swap3A_9 = vector.load %arg2[%swap3A, %swap3A_8] : memref<256x10016xf8E4M3FN, #tpu.memory_space<vmem>>, vector<256x10016xf8E4M3FN>
    tpu.vector_store %arg2[%swap3A, %swap3A_8], %convert_element_type3A {strides = array<i32>} : memref<256x10016xf8E4M3FN, #tpu.memory_space<vmem>>, vector<256x10016xf8E4M3FN>,
    %broadcast_in_dim3A_10 = arith.constant 1.000000e+00 : f8E4M3FN
    %broadcast_in_dim3A_11 = vector.broadcast %broadcast_in_dim3A_10 : f8E4M3FN to vector<10016x16xf8E4M3FN>
    %dot_general3A = arith.constant dense<0.000000e+00> : vector<256x16xf32>
    %dot_general3A_12 = tpu.matmul %convert_element_type3A, %broadcast_in_dim3A_11, %dot_general3A {dimension_numbers = #tpu.dot_dimension_numbers<[1], [0], [0], [1], [0, 0, 1, 1], [], []>, transpose_lhs_hint = false} : vector<256x10016xf8E4M3FN>, vector<10016x16xf8E4M3FN>, vector<256x16xf32> -> vector<256x16xf32>
    %mul3A_13 = arith.constant 0.00223214296 : f32
    %mul3A_14 = vector.broadcast %mul3A_13 : f32 to vector<256x1xf32>
    %mul3A_15 = arith.mulf %max3A_4, %mul3A_14 : vector<256x1xf32>
    %mul3A_16 = arith.constant 1.406250e-02 : f32
    %mul3A_17 = vector.broadcast %mul3A_16 : f32 to vector<256x1xf32>
    %mul3A_18 = arith.mulf %mul3A_15, %mul3A_17 : vector<256x1xf32>
    %broadcast_in_dim3A_19 = vector.shape_cast %mul3A_18 : vector<256x1xf32> to vector<256x1xf32>
    %broadcast_in_dim3A_20 = vector.broadcast %broadcast_in_dim3A_19 : vector<256x1xf32> to vector<256x16xf32>
    %swap3A_21 = arith.constant 0 : index
    %swap3A_22 = arith.constant 0 : index
    %swap3A_23 = vector.load %arg3[%swap3A_21, %swap3A_22] : memref<256x16xf32, #tpu.memory_space<vmem>>, vector<256x16xf32>
    tpu.vector_store %arg3[%swap3A_21, %swap3A_22], %broadcast_in_dim3A_20 {strides = array<i32>} : memref<256x16xf32, #tpu.memory_space<vmem>>, vector<256x16xf32>,
    %mul3A_24 = arith.constant 4.500000e-01 : f32
    %mul3A_25 = vector.broadcast %mul3A_24 : f32 to vector<256x1xf32>
    %mul3A_26 = arith.mulf %mul3A_15, %mul3A_25 : vector<256x1xf32>
    %mul3A_27 = vector.broadcast %mul3A_26 : vector<256x1xf32> to vector<256x16xf32>
    %mul3A_28 = arith.mulf %dot_general3A_12, %mul3A_27 : vector<256x16xf32>
    %swap3A_29 = arith.constant 0 : index
    %swap3A_30 = arith.constant 0 : index
    %swap3A_31 = vector.load %arg4[%swap3A_29, %swap3A_30] : memref<256x16xf32, #tpu.memory_space<vmem>>, vector<256x16xf32>
    tpu.vector_store %arg4[%swap3A_29, %swap3A_30], %mul3A_28 {strides = array<i32>} : memref<256x16xf32, #tpu.memory_space<vmem>>, vector<256x16xf32>,
    return
  }
  func.func @transform_0(%arg0: i32) -> (i32, i32) {
    %c0_i32 = arith.constant 0 : i32
    %c0_i32_0 = arith.constant 0 : i32
    return %arg0, %c0_i32 : i32, i32
  }
  func.func @transform_1(%arg0: i32) -> (i32, i32) {
    %c0_i32 = arith.constant 0 : i32
    %c0_i32_0 = arith.constant 0 : i32
    return %arg0, %c0_i32 : i32, i32
  }
  func.func @transform_2(%arg0: i32) -> (i32, i32) {
    %c0_i32 = arith.constant 0 : i32
    %c0_i32_0 = arith.constant 0 : i32
    return %arg0, %c0_i32 : i32, i32
  }
  func.func @transform_3(%arg0: i32) -> (i32, i32) {
    %c0_i32 = arith.constant 0 : i32
    %c0_i32_0 = arith.constant 0 : i32
    return %arg0, %c0_i32 : i32, i32
  }
}

module attributes {stable_mosaic.version = 14 : i64} {
  func.func @_init_body(%arg0: memref<2x10016x32xf32, #tpu.memory_space<vmem>>, %arg1: memref<10016x16xf32, #tpu.memory_space<vmem>>, %arg2: memref<1x16xf32, #tpu.memory_space<vmem>>, %arg3: memref<10016x16xf32, #tpu.memory_space<vmem>>, %arg4: memref<10016x16xf32, #tpu.memory_space<vmem>>, %arg5: memref<10016x16xf32, #tpu.memory_space<vmem>>, %arg6: memref<10016x16xf8E4M3FN, #tpu.memory_space<vmem>>, %arg7: memref<10016x32xf32, #tpu.memory_space<vmem>>) attributes {dimension_semantics = [], scalar_prefetch = 0 : i64, scratch_operands = 0 : i64, tpu.core_type = #tpu.core_type<tc>} {
    %get3A = arith.constant 0 : index
    %get3A_0 = arith.constant 0 : index
    %get3A_1 = arith.constant 0 : index
    %get3A_2 = vector.load %arg0[%get3A, %get3A_0, %get3A_1] : memref<2x10016x32xf32, #tpu.memory_space<vmem>>, vector<1x10016x16xf32>
    %get3A_3 = vector.shape_cast %get3A_2 : vector<1x10016x16xf32> to vector<10016x16xf32>
    %get3A_4 = arith.constant 1 : index
    %get3A_5 = arith.constant 0 : index
    %get3A_6 = arith.constant 0 : index
    %get3A_7 = vector.load %arg0[%get3A_4, %get3A_5, %get3A_6] : memref<2x10016x32xf32, #tpu.memory_space<vmem>>, vector<1x10016x16xf32>
    %get3A_8 = vector.shape_cast %get3A_7 : vector<1x10016x16xf32> to vector<10016x16xf32>
    %add3A = arith.addf %get3A_3, %get3A_8 : vector<10016x16xf32>
    %get3A_9 = arith.constant 0 : index
    %get3A_10 = arith.constant 0 : index
    %get3A_11 = arith.constant 16 : index
    %get3A_12 = vector.load %arg0[%get3A_9, %get3A_10, %get3A_11] : memref<2x10016x32xf32, #tpu.memory_space<vmem>>, vector<1x10016x16xf32>
    %get3A_13 = vector.shape_cast %get3A_12 : vector<1x10016x16xf32> to vector<10016x16xf32>
    %get3A_14 = arith.constant 1 : index
    %get3A_15 = arith.constant 0 : index
    %get3A_16 = arith.constant 16 : index
    %get3A_17 = vector.load %arg0[%get3A_14, %get3A_15, %get3A_16] : memref<2x10016x32xf32, #tpu.memory_space<vmem>>, vector<1x10016x16xf32>
    %get3A_18 = vector.shape_cast %get3A_17 : vector<1x10016x16xf32> to vector<10016x16xf32>
    %add3A_19 = arith.addf %get3A_13, %get3A_18 : vector<10016x16xf32>
    %max3A = arith.constant 1.000000e+00 : f32
    %max3A_20 = vector.broadcast %max3A : f32 to vector<10016x16xf32>
    %max3A_21 = arith.maximumf %add3A_19, %max3A_20 : vector<10016x16xf32>
    %div3A = arith.divf %add3A, %max3A_21 : vector<10016x16xf32>
    %get3A_22 = arith.constant 0 : index
    %get3A_23 = arith.constant 0 : index
    %get3A_24 = vector.load %arg2[%get3A_22, %get3A_23] : memref<1x16xf32, #tpu.memory_space<vmem>>, vector<1x16xf32>
    %add3A_25 = vector.broadcast %get3A_24 : vector<1x16xf32> to vector<10016x16xf32>
    %add3A_26 = arith.addf %div3A, %add3A_25 : vector<10016x16xf32>
    %get3A_27 = arith.constant 0 : index
    %get3A_28 = arith.constant 0 : index
    %get3A_29 = vector.load %arg1[%get3A_27, %get3A_28] : memref<10016x16xf32, #tpu.memory_space<vmem>>, vector<10016x16xf32>
    %add3A_30 = arith.addf %add3A_26, %get3A_29 : vector<10016x16xf32>
    %mul3A = arith.mulf %add3A_30, %add3A_30 : vector<10016x16xf32>
    %reduce_sum3A = arith.constant dense<0.000000e+00> : vector<10016xf32>
    %reduce_sum3A_31 = vector.multi_reduction <add>, %mul3A, %reduce_sum3A [1] : vector<10016x16xf32> to vector<10016xf32>
    %broadcast_in_dim3A = vector.shape_cast %reduce_sum3A_31 : vector<10016xf32> to vector<10016x1xf32>
    %sqrt3A = math.sqrt %broadcast_in_dim3A : vector<10016x1xf32>
    %max3A_32 = arith.constant 9.99999996E-13 : f32
    %max3A_33 = vector.broadcast %max3A_32 : f32 to vector<10016x1xf32>
    %max3A_34 = arith.maximumf %sqrt3A, %max3A_33 : vector<10016x1xf32>
    %div3A_35 = vector.broadcast %max3A_34 : vector<10016x1xf32> to vector<10016x16xf32>
    %div3A_36 = arith.divf %add3A_30, %div3A_35 : vector<10016x16xf32>
    %logistic3A = arith.negf %div3A_36 : vector<10016x16xf32>
    %logistic3A_37 = math.exp %logistic3A : vector<10016x16xf32>
    %logistic3A_38 = arith.constant 1.000000e+00 : f32
    %logistic3A_39 = vector.broadcast %logistic3A_38 : f32 to vector<10016x16xf32>
    %logistic3A_40 = arith.addf %logistic3A_39, %logistic3A_37 : vector<10016x16xf32>
    %logistic3A_41 = arith.divf %logistic3A_39, %logistic3A_40 : vector<10016x16xf32>
    %sub3A = arith.constant 5.000000e-01 : f32
    %sub3A_42 = vector.broadcast %sub3A : f32 to vector<10016x16xf32>
    %sub3A_43 = arith.subf %logistic3A_41, %sub3A_42 : vector<10016x16xf32>
    %mul3A_44 = arith.constant 6.400000e+01 : f32
    %mul3A_45 = vector.broadcast %mul3A_44 : f32 to vector<10016x16xf32>
    %mul3A_46 = arith.mulf %sub3A_43, %mul3A_45 : vector<10016x16xf32>
    %convert_element_type3A = arith.truncf %mul3A_46 : vector<10016x16xf32> to vector<10016x16xf8E4M3FN>
    %swap3A = arith.constant 0 : index
    %swap3A_47 = arith.constant 0 : index
    %swap3A_48 = vector.load %arg6[%swap3A, %swap3A_47] : memref<10016x16xf8E4M3FN, #tpu.memory_space<vmem>>, vector<10016x16xf8E4M3FN>
    tpu.vector_store %arg6[%swap3A, %swap3A_47], %convert_element_type3A {strides = array<i32>} : memref<10016x16xf8E4M3FN, #tpu.memory_space<vmem>>, vector<10016x16xf8E4M3FN>,
    %get3A_49 = arith.constant 0 : index
    %get3A_50 = arith.constant 0 : index
    %get3A_51 = vector.load %arg4[%get3A_49, %get3A_50] : memref<10016x16xf32, #tpu.memory_space<vmem>>, vector<10016x16xf32>
    %get3A_52 = arith.constant 0 : index
    %get3A_53 = arith.constant 0 : index
    %get3A_54 = vector.load %arg5[%get3A_52, %get3A_53] : memref<10016x16xf32, #tpu.memory_space<vmem>>, vector<10016x16xf32>
    %mul3A_55 = arith.constant 1.000000e-01 : f32
    %mul3A_56 = vector.broadcast %mul3A_55 : f32 to vector<10016x16xf32>
    %mul3A_57 = arith.mulf %mul3A_56, %get3A_54 : vector<10016x16xf32>
    %add3A_58 = arith.addf %get3A_51, %mul3A_57 : vector<10016x16xf32>
    %get3A_59 = arith.constant 0 : index
    %get3A_60 = arith.constant 0 : index
    %get3A_61 = vector.load %arg3[%get3A_59, %get3A_60] : memref<10016x16xf32, #tpu.memory_space<vmem>>, vector<10016x16xf32>
    %concatenate3A = tpu.concatenate %get3A_61, %add3A_58 in 1 : vector<10016x16xf32>, vector<10016x16xf32> -> vector<10016x32xf32>
    %swap3A_62 = arith.constant 0 : index
    %swap3A_63 = arith.constant 0 : index
    %swap3A_64 = vector.load %arg7[%swap3A_62, %swap3A_63] : memref<10016x32xf32, #tpu.memory_space<vmem>>, vector<10016x32xf32>
    tpu.vector_store %arg7[%swap3A_62, %swap3A_63], %concatenate3A {strides = array<i32>} : memref<10016x32xf32, #tpu.memory_space<vmem>>, vector<10016x32xf32>,
    return
  }
}

module attributes {stable_mosaic.version = 14 : i64} {
  func.func @_main_body(%arg0: i32, %arg1: i32, %arg2: memref<2048x10016xf8E4M3FN, #tpu.memory_space<vmem>>, %arg3: memref<2048x32xf32, #tpu.memory_space<vmem>>, %arg4: memref<10016x16xf8E4M3FN, #tpu.memory_space<vmem>>, %arg5: memref<2048x16xf32, #tpu.memory_space<vmem>>, %arg6: memref<10240x16xf8E4M3FN, #tpu.memory_space<vmem>>, %arg7: memref<10240x16xf8E4M3FN, #tpu.memory_space<vmem>>) attributes {dimension_semantics = [#tpu.dimension_semantics<arbitrary>, #tpu.dimension_semantics<arbitrary>], iteration_bounds = array<i64: 50, 5>, scalar_prefetch = 0 : i64, scratch_operands = 2 : i64, tpu.core_type = #tpu.core_type<tc>, window_params = [{transform_indices = @transform_0, window_bounds = array<i64: 2048, 10016>}, {transform_indices = @transform_1, window_bounds = array<i64: 2048, 32>}, {pipeline_mode = #tpu.pipeline_mode<synchronous>, transform_indices = @transform_2, window_bounds = array<i64: 10016, 16>}, {transform_indices = @transform_3, window_bounds = array<i64: 2048, 16>}]} {
    %eq3A = arith.constant 0 : i32
    %eq3A_0 = arith.cmpi eq, %arg0, %eq3A : i32
    %eq3A_1 = arith.constant 0 : i32
    %eq3A_2 = arith.cmpi eq, %arg1, %eq3A_1 : i32
    %and3A = arith.andi %eq3A_0, %eq3A_2 : i1
    %convert_element_type3A = arith.extui %and3A : i1 to i32
    %cond3A = arith.constant 0 : i32
    %cond3A_3 = arith.cmpi ne, %convert_element_type3A, %cond3A : i32
    scf.if %cond3A_3 {
      %get3A = arith.constant 0 : index
      %get3A_40 = arith.constant 0 : index
      %get3A_41 = vector.load %arg4[%get3A, %get3A_40] : memref<10016x16xf8E4M3FN, #tpu.memory_space<vmem>>, vector<10016x16xf8E4M3FN>
      %swap3A = arith.constant 0 : index
      %swap3A_42 = arith.constant 0 : index
      %swap3A_43 = vector.load %arg6[%swap3A, %swap3A_42] : memref<10240x16xf8E4M3FN, #tpu.memory_space<vmem>>, vector<10016x16xf8E4M3FN>
      tpu.vector_store %arg6[%swap3A, %swap3A_42], %get3A_41 {strides = array<i32>} : memref<10240x16xf8E4M3FN, #tpu.memory_space<vmem>>, vector<10016x16xf8E4M3FN>,
    } else {
    }
    %jit3A = arith.constant 2 : i32
    %eq3A_4 = arith.constant 0 : i32
    %eq3A_5 = arith.cmpi eq, %jit3A, %eq3A_4 : i32
    %jit3A_6 = arith.constant 1 : i32
    %select_n3A = arith.select %eq3A_5, %jit3A_6, %jit3A : i32
    %rem3A = arith.remsi %arg0, %select_n3A : i32
    %ne3A = arith.constant 0 : i32
    %ne3A_7 = arith.cmpi ne, %rem3A, %ne3A : i32
    %lt3A = arith.constant 0 : i32
    %lt3A_8 = arith.cmpi slt, %rem3A, %lt3A : i32
    %lt3A_9 = arith.constant 0 : i32
    %lt3A_10 = arith.cmpi slt, %select_n3A, %lt3A_9 : i32
    %ne3A_11 = arith.xori %lt3A_8, %lt3A_10 : i1
    %and3A_12 = arith.andi %ne3A_11, %ne3A_7 : i1
    %add3A = arith.addi %rem3A, %select_n3A : i32
    %select_n3A_13 = arith.select %and3A_12, %add3A, %rem3A : i32
    %eq3A_14 = arith.constant 0 : i32
    %eq3A_15 = arith.cmpi eq, %select_n3A_13, %eq3A_14 : i32
    %convert_element_type3A_16 = arith.extui %eq3A_15 : i1 to i32
    %cond3A_17 = arith.constant 0 : i32
    %cond3A_18 = arith.cmpi ne, %convert_element_type3A_16, %cond3A_17 : i32
    scf.if %cond3A_18 {
      %get3A = arith.constant 0 : index
      %get3A_40 = arith.constant 0 : index
      %get3A_41 = vector.load %arg6[%get3A, %get3A_40] : memref<10240x16xf8E4M3FN, #tpu.memory_space<vmem>>, vector<10016x16xf8E4M3FN>
      %get3A_42 = arith.constant 0 : index
      %get3A_43 = arith.constant 0 : index
      %get3A_44 = vector.load %arg2[%get3A_42, %get3A_43] : memref<2048x10016xf8E4M3FN, #tpu.memory_space<vmem>>, vector<2048x10016xf8E4M3FN>
      %dot_general3A = arith.constant dense<0.000000e+00> : vector<2048x16xf32>
      %dot_general3A_45 = tpu.matmul %get3A_44, %get3A_41, %dot_general3A {dimension_numbers = #tpu.dot_dimension_numbers<[1], [0], [0], [1], [0, 0, 1, 1], [], []>, transpose_lhs_hint = false} : vector<2048x10016xf8E4M3FN>, vector<10016x16xf8E4M3FN>, vector<2048x16xf32> -> vector<2048x16xf32>
      %get3A_46 = arith.constant 0 : index
      %get3A_47 = arith.constant 0 : index
      %get3A_48 = vector.load %arg3[%get3A_46, %get3A_47] : memref<2048x32xf32, #tpu.memory_space<vmem>>, vector<2048x16xf32>
      %mul3A = arith.mulf %get3A_48, %dot_general3A_45 : vector<2048x16xf32>
      %get3A_49 = arith.constant 0 : index
      %get3A_50 = arith.constant 16 : index
      %get3A_51 = vector.load %arg3[%get3A_49, %get3A_50] : memref<2048x32xf32, #tpu.memory_space<vmem>>, vector<2048x16xf32>
      %add3A_52 = arith.addf %mul3A, %get3A_51 : vector<2048x16xf32>
      %swap3A = arith.constant 0 : index
      %swap3A_53 = arith.constant 0 : index
      %swap3A_54 = vector.load %arg5[%swap3A, %swap3A_53] : memref<2048x16xf32, #tpu.memory_space<vmem>>, vector<2048x16xf32>
      tpu.vector_store %arg5[%swap3A, %swap3A_53], %add3A_52 {strides = array<i32>} : memref<2048x16xf32, #tpu.memory_space<vmem>>, vector<2048x16xf32>,
      %sub3A = arith.constant 5.000000e-01 : f32
      %sub3A_55 = vector.broadcast %sub3A : f32 to vector<2048x16xf32>
      %sub3A_56 = arith.subf %add3A_52, %sub3A_55 : vector<2048x16xf32>
      %mul3A_57 = arith.constant 6.400000e+01 : f32
      %mul3A_58 = vector.broadcast %mul3A_57 : f32 to vector<2048x16xf32>
      %mul3A_59 = arith.mulf %sub3A_56, %mul3A_58 : vector<2048x16xf32>
      %convert_element_type3A_60 = arith.truncf %mul3A_59 : vector<2048x16xf32> to vector<2048x16xf8E4M3FN>
      %mul3A_61 = arith.constant 2048 : i32
      %mul3A_62 = arith.muli %arg1, %mul3A_61 : i32
      %swap3A_63 = arith.index_cast %mul3A_62 : i32 to index
      %swap3A_64 = arith.constant 0 : index
      %swap3A_65 = vector.load %arg7[%swap3A_63, %swap3A_64] : memref<10240x16xf8E4M3FN, #tpu.memory_space<vmem>>, vector<2048x16xf8E4M3FN>
      tpu.vector_store %arg7[%swap3A_63, %swap3A_64], %convert_element_type3A_60 {strides = array<i32>} : memref<10240x16xf8E4M3FN, #tpu.memory_space<vmem>>, vector<2048x16xf8E4M3FN>,
    } else {
    }
    %jit3A_19 = arith.constant 2 : i32
    %eq3A_20 = arith.constant 0 : i32
    %eq3A_21 = arith.cmpi eq, %jit3A_19, %eq3A_20 : i32
    %jit3A_22 = arith.constant 1 : i32
    %select_n3A_23 = arith.select %eq3A_21, %jit3A_22, %jit3A_19 : i32
    %rem3A_24 = arith.remsi %arg0, %select_n3A_23 : i32
    %ne3A_25 = arith.constant 0 : i32
    %ne3A_26 = arith.cmpi ne, %rem3A_24, %ne3A_25 : i32
    %lt3A_27 = arith.constant 0 : i32
    %lt3A_28 = arith.cmpi slt, %rem3A_24, %lt3A_27 : i32
    %lt3A_29 = arith.constant 0 : i32
    %lt3A_30 = arith.cmpi slt, %select_n3A_23, %lt3A_29 : i32
    %ne3A_31 = arith.xori %lt3A_28, %lt3A_30 : i1
    %and3A_32 = arith.andi %ne3A_31, %ne3A_26 : i1
    %add3A_33 = arith.addi %rem3A_24, %select_n3A_23 : i32
    %select_n3A_34 = arith.select %and3A_32, %add3A_33, %rem3A_24 : i32
    %eq3A_35 = arith.constant 1 : i32
    %eq3A_36 = arith.cmpi eq, %select_n3A_34, %eq3A_35 : i32
    %convert_element_type3A_37 = arith.extui %eq3A_36 : i1 to i32
    %cond3A_38 = arith.constant 0 : i32
    %cond3A_39 = arith.cmpi ne, %convert_element_type3A_37, %cond3A_38 : i32
    scf.if %cond3A_39 {
      %get3A = arith.constant 0 : index
      %get3A_40 = arith.constant 0 : index
      %get3A_41 = vector.load %arg7[%get3A, %get3A_40] : memref<10240x16xf8E4M3FN, #tpu.memory_space<vmem>>, vector<10016x16xf8E4M3FN>
      %get3A_42 = arith.constant 0 : index
      %get3A_43 = arith.constant 0 : index
      %get3A_44 = vector.load %arg2[%get3A_42, %get3A_43] : memref<2048x10016xf8E4M3FN, #tpu.memory_space<vmem>>, vector<2048x10016xf8E4M3FN>
      %dot_general3A = arith.constant dense<0.000000e+00> : vector<2048x16xf32>
      %dot_general3A_45 = tpu.matmul %get3A_44, %get3A_41, %dot_general3A {dimension_numbers = #tpu.dot_dimension_numbers<[1], [0], [0], [1], [0, 0, 1, 1], [], []>, transpose_lhs_hint = false} : vector<2048x10016xf8E4M3FN>, vector<10016x16xf8E4M3FN>, vector<2048x16xf32> -> vector<2048x16xf32>
      %get3A_46 = arith.constant 0 : index
      %get3A_47 = arith.constant 0 : index
      %get3A_48 = vector.load %arg3[%get3A_46, %get3A_47] : memref<2048x32xf32, #tpu.memory_space<vmem>>, vector<2048x16xf32>
      %mul3A = arith.mulf %get3A_48, %dot_general3A_45 : vector<2048x16xf32>
      %get3A_49 = arith.constant 0 : index
      %get3A_50 = arith.constant 16 : index
      %get3A_51 = vector.load %arg3[%get3A_49, %get3A_50] : memref<2048x32xf32, #tpu.memory_space<vmem>>, vector<2048x16xf32>
      %add3A_52 = arith.addf %mul3A, %get3A_51 : vector<2048x16xf32>
      %swap3A = arith.constant 0 : index
      %swap3A_53 = arith.constant 0 : index
      %swap3A_54 = vector.load %arg5[%swap3A, %swap3A_53] : memref<2048x16xf32, #tpu.memory_space<vmem>>, vector<2048x16xf32>
      tpu.vector_store %arg5[%swap3A, %swap3A_53], %add3A_52 {strides = array<i32>} : memref<2048x16xf32, #tpu.memory_space<vmem>>, vector<2048x16xf32>,
      %sub3A = arith.constant 5.000000e-01 : f32
      %sub3A_55 = vector.broadcast %sub3A : f32 to vector<2048x16xf32>
      %sub3A_56 = arith.subf %add3A_52, %sub3A_55 : vector<2048x16xf32>
      %mul3A_57 = arith.constant 6.400000e+01 : f32
      %mul3A_58 = vector.broadcast %mul3A_57 : f32 to vector<2048x16xf32>
      %mul3A_59 = arith.mulf %sub3A_56, %mul3A_58 : vector<2048x16xf32>
      %convert_element_type3A_60 = arith.truncf %mul3A_59 : vector<2048x16xf32> to vector<2048x16xf8E4M3FN>
      %mul3A_61 = arith.constant 2048 : i32
      %mul3A_62 = arith.muli %arg1, %mul3A_61 : i32
      %swap3A_63 = arith.index_cast %mul3A_62 : i32 to index
      %swap3A_64 = arith.constant 0 : index
      %swap3A_65 = vector.load %arg6[%swap3A_63, %swap3A_64] : memref<10240x16xf8E4M3FN, #tpu.memory_space<vmem>>, vector<2048x16xf8E4M3FN>
      tpu.vector_store %arg6[%swap3A_63, %swap3A_64], %convert_element_type3A_60 {strides = array<i32>} : memref<10240x16xf8E4M3FN, #tpu.memory_space<vmem>>, vector<2048x16xf8E4M3FN>,
    } else {
    }
    return
  }
  func.func @transform_0(%arg0: i32, %arg1: i32) -> (i32, i32) {
    %c0_i32 = arith.constant 0 : i32
    %c0_i32_0 = arith.constant 0 : i32
    return %arg1, %c0_i32 : i32, i32
  }
  func.func @transform_1(%arg0: i32, %arg1: i32) -> (i32, i32) {
    %c0_i32 = arith.constant 0 : i32
    %c0_i32_0 = arith.constant 0 : i32
    return %arg1, %c0_i32 : i32, i32
  }
  func.func @transform_2(%arg0: i32, %arg1: i32) -> (i32, i32) {
    %c0_i32 = arith.constant 0 : i32
    %c0_i32_0 = arith.constant 0 : i32
    %c0_i32_1 = arith.constant 0 : i32
    return %c0_i32, %c0_i32_0 : i32, i32
  }
  func.func @transform_3(%arg0: i32, %arg1: i32) -> (i32, i32) {
    %c0_i32 = arith.constant 0 : i32
    %c0_i32_0 = arith.constant 0 : i32
    return %arg1, %c0_i32 : i32, i32
  }
}

</mosaic_0001>

<sc_bundles>
// kernel: kernel.7.cloned.1.call-start
scs
__scs_entry_jumppad:
0x0: {  	(pc) =	sbr.rel $0x88, $3  }
0x1: {  	(tag) =	ssettag $0x0;
	lr =	simm.s32 $0x1  }
0x2: {  	[smem:$0x3F99] =	sst lr;
	_ =	strace $0xD0000000  }
0x3: {  	_ = 	snop  }
0x4: {  	_ = 	snop  }
0x5: {  	_ = 	snop  }
0x6: {  	_ = 	snop  }
0x7: {  	_ = 	snop  }
__scs_overlays_trampoline_lowered:
0x8: {  	[smem:$0x3FA8] =	sst s0  }
0x9: {  	[smem:$0x3FA9] =	sst s1  }
0xa: {  	[smem:$0x3FAA] =	sst s2  }
0xb: {  	[smem:$0x3FAB] =	sst s3  }
0xc: {  	[smem:$0x3FAC] =	sst s4  }
0xd: {  	[smem:$0x3FAD] =	sst s5  }
0xe: {  	[smem:$0x3FAE] =	sst s6  }
0xf: {  	[smem:$0x3FAF] =	sst s7  }
0x10: {  	[smem:$0x3FB0] =	sst s8  }
0x11: {  	[smem:$0x3FB1] =	sst s9;
	s0 =	simm.s32 @!p0 $0x0  }
0x12: {  	s1 =	sld [smem:$0x3F97];
	s0 =	simm.s32 @p0 $0x1  }
0x13: {  	[smem:$0x3FB2] =	sst s0;
	s0 =	simm.s32 @!p1 $0x0  }
0x14: {  	s2 =	sld [smem:$0x3F96];
	s0 =	simm.s32 @p1 $0x1  }
0x15: {  	[smem:$0x3FB3] =	sst s0;
	s0 =	simm.s32 @!p2 $0x0  }
0x16: {  	s3 =	sld [smem:$0x3FDB];
	s0 =	simm.s32 @p2 $0x1  }
0x17: {  	s4 =	simm.s32 $0x1BF5;
	[smem:$0x3FB5] =	sst s0  }
0x18: {  	s0 =	sld [smem:$0x3F98];
	_ =	swait.ge [sflag:s4], $0x0  }
0x19: {  	s7 =	sld [smem:$0x3F99]  }
0x1a: {  	s8 =	sadd.s32 $0xFFFFE003, lr  }
0x1b: {  	s9 =	sadd.s32 $0xFFFFFEF7, lr;
	s5 =	simm.s32 $0xFFFFFFFF;
	p2 =	slt.u32 s8, $0xFFFFF086  }
0x1c: {  	p1 =	slt.u32 s9, $0xF7A;
	s5 =	simm.s32 @!p2 $0x0  }
0x1d: {  	s5 =	simm.s32 @p1 $0x1;
	p0 =	seq.s32 s7, s2  }
0x1e: {  	s7 =	smul.u32 @!p0 $0xF7A, s2;
	p2 =	seq.s32 @!p0 s5, $0x0  }
0x1f: {  	s9 =	smul.u32 $0xF7A, s1;
	s8 =	simm.s32 @!p0 $0x1BF5;
	p2 =	por !p2, p0  }
0x20: {  	[sflag:s8] =	ssyncset.s32 @!p0 $0xFFFFF086;
	s6 =	sadd.s32 @!p0 s3, s7;
	s7 =	simm.s32 @!p0 $0x108  }
0x21: {  	s3 =	sadd.s32 s3, s9;
	s6 =	sadd.s32 @!p0 $0x88, s6;
	s7 =	simm.s32 @p2 $0x1082  }
0x22: {  	[simem:s7], [sflag:s8] =	dma.local @!p0 [hbm:s6], $0xF7A  }
0x23: {  	s9 =	sor.u32 $0xD0000000, s2;
	s6 =	simm.s32 $0x108;
	_ =	swait.ge @!p0 [sflag:s8], $0x0  }
0x24: {  	s3 =	sadd.s32 $0x88, s3;
	s6 =	simm.s32 @!p1 $0x1082;
	[sflag:s4] =	ssyncset.s32 $0xFFFFF086  }
0x25: {  	[simem:s6], [sflag:s4] =	dma.local [hbm:s3], $0xF7A  }
0x26: {  	[smem:$0x3F99] =	sst s1;
	(tag) =	ssettag s2;
	_ =	strace s9  }
0x27: {  	s1 =	sld [smem:$0x3FA9]  }
0x28: {  	s2 =	sld [smem:$0x3FAA]  }
0x29: {  	s4 =	sld [smem:$0x3FAC]  }
0x2a: {  	p0 =	seq.s32 s5, $0x0;
	s5 =	sld [smem:$0x3FAD]  }
0x2b: {  	s6 =	sld [smem:$0x3FAE]  }
0x2c: {  	s7 =	sld [smem:$0x3FAF]  }
0x2d: {  	s3 =	simm.s32 $0x108;
	s8 =	sld [smem:$0x3FB0]  }
0x2e: {  	s3 =	simm.s32 @!p0 $0x1082;
	s9 =	sld [smem:$0x3FB1]  }
0x2f: {  	lr =	sadd.s32 s0, s3;
	s0 =	sld [smem:$0x3FA8]  }
0x30: {  	s3 =	sld [smem:$0x3FAB]  }
0x31: {  	[smem:$0x3FB4] =	sst s10  }
0x32: {  	s10 =	sld [smem:$0x3FB2];
	_ =	sdelay $0x3  }
0x33: {  	p0 =	seq.s32 s10, $0x1;
	s10 =	sld [smem:$0x3FB4];
	_ =	sdelay $0x3  }
0x34: {  	[smem:$0x3FB4] =	sst s10  }
0x35: {  	s10 =	sld [smem:$0x3FB3];
	_ =	sdelay $0x3  }
0x36: {  	p1 =	seq.s32 s10, $0x1;
	s10 =	sld [smem:$0x3FB4];
	_ =	sdelay $0x3  }
0x37: {  	[smem:$0x3FB4] =	sst s10  }
0x38: {  	s10 =	sld [smem:$0x3FB5]  }
0x39: {  	_ = 	snop;
	(pc) =	sbr.ind lr, $3  }
0x3a: {  	_ = 	snop  }
0x3b: {  	_ = 	snop  }
0x3c: {  	p2 =	seq.s32 s10, $0x1;
	s10 =	sld [smem:$0x3FB4]  }
0x3d: {  	_ =	shalt  }
0x3e: {  	_ =	shalt  }
0x3f: {  	_ =	shalt  }
0x40: {  	_ =	shalt  }
0x41: {  	_ =	shalt  }
0x42: {  	_ =	shalt  }
0x43: {  	_ =	shalt  }
0x44: {  	_ =	shalt  }
0x45: {  	_ =	shalt  }
0x46: {  	_ =	shalt  }
0x47: {  	_ =	shalt  }
0x48: {  	_ =	shalt  }
0x49: {  	_ =	shalt  }
0x4a: {  	_ =	shalt  }
0x4b: {  	_ =	shalt  }
0x4c: {  	_ =	shalt  }
0x4d: {  	_ =	shalt  }
0x4e: {  	_ =	shalt  }
0x4f: {  	_ =	shalt  }
0x50: {  	_ =	shalt  }
0x51: {  	_ =	shalt  }
0x52: {  	_ =	shalt  }
0x53: {  	_ =	shalt  }
0x54: {  	_ =	shalt  }
0x55: {  	_ =	shalt  }
0x56: {  	_ =	shalt  }
0x57: {  	_ =	shalt  }
0x58: {  	_ =	shalt  }
0x59: {  	_ =	shalt  }
0x5a: {  	_ =	shalt  }
0x5b: {  	_ =	shalt  }
0x5c: {  	_ =	shalt  }
0x5d: {  	_ =	shalt  }
0x5e: {  	_ =	shalt  }
0x5f: {  	_ =	shalt  }
0x60: {  	_ =	shalt  }
0x61: {  	_ =	shalt  }
0x62: {  	_ =	shalt  }
0x63: {  	_ =	shalt  }
0x64: {  	_ =	shalt  }
0x65: {  	_ =	shalt  }
0x66: {  	_ =	shalt  }
0x67: {  	_ =	shalt  }
0x68: {  	_ =	shalt  }
0x69: {  	_ =	shalt  }
0x6a: {  	_ =	shalt  }
0x6b: {  	_ =	shalt  }
0x6c: {  	_ =	shalt  }
0x6d: {  	_ =	shalt  }
0x6e: {  	_ =	shalt  }
0x6f: {  	_ =	shalt  }
0x70: {  	_ =	shalt  }
0x71: {  	_ =	shalt  }
0x72: {  	_ =	shalt  }
0x73: {  	_ =	shalt  }
0x74: {  	_ =	shalt  }
0x75: {  	_ =	shalt  }
0x76: {  	_ =	shalt  }
0x77: {  	_ =	shalt  }
0x78: {  	_ =	shalt  }
0x79: {  	_ =	shalt  }
0x7a: {  	_ =	shalt  }
0x7b: {  	_ =	shalt  }
0x7c: {  	_ =	shalt  }
0x7d: {  	_ =	shalt  }
0x7e: {  	_ =	shalt  }
0x7f: {  	_ =	shalt  }
0x80: {  	_ =	shalt  }
0x81: {  	_ =	shalt  }
0x82: {  	_ =	shalt  }
0x83: {  	_ =	shalt  }
0x84: {  	_ =	shalt  }
0x85: {  	_ =	shalt  }
0x86: {  	_ =	shalt  }
0x87: {  	_ =	shalt  }
.Lfunc_end0:
.L_simem_size_0:
called_computation_lowered:
.L_overlay_start_0:
0x88: {  	s2 =	sld [smem:$0x3FD9]  }
0x89: {  	s3 =	sld [smem:$0x3FFE];
	_ =	sdelay $0x1  }
0x8a: {  	s1 =	srdreg.scid  }
0x8b: {  	s0 =	sand.u32 $0x1, s1  }
0x8c: {  	s16 =	sshll.u32 s0, $0xA;
	s2 =	sadd.s32 s3, s2  }
0x8d: {  	s2 =	sadd.s32 s2, s16  }
0x8e: {  	[smem:$0x3FC0] =	sst s2  }
0x8f: {  	_ = 	snop  }
0x90: {  	(tm) =	ssettm $0x1  }
0x91: {  	s17 =	sld [smem:$0x3FFB];
	_ =	sdelay $0x3  }
0x92: {  	_ =	strace s17  }
0x93: {  	s2 =	sld [smem:$0x3FFC];
	_ =	sdelay $0x3  }
0x94: {  	_ =	strace s2  }
0x95: {  	s2 =	sld [smem:$0x3FFD];
	_ =	sdelay $0x3  }
0x96: {  	_ =	strace s2  }
0x97: {  	_ =	strace $0x8FFFFFFF  }
0x98: {  	s18 =	sld [smem:$0x3FDB];
	_ =	sdelay $0x1  }
0x99: {  	s19 =	simm.s32 $_scs_section_size  }
0x9a: {  	s4 =	simm.s32 $_size__tile_overlayer_lowered;
	s5 =	simm.s32 $_tile_overlayer_lowered  }
0x9b: {  	s22 =	simm.s32 $0x1BFF;
	s21 =	sshll.u32 s5, $0x1;
	s2 =	sadd.s32 s19, s18  }
0x9c: {  	s6 =	simm.s32 $0x0;
	s20 =	sshll.u32 s4, $0x1;
	s4 =	sadd.s32 s21, s2  }
0x9d: {  	[timem:s6], [sflag:s22] =	dma.local [hbm:s4], s20  }
0x9e: {  	_ =	swait.ge [sflag:s22], s20  }
0x9f: {  	s3 =	ssub.s32 $0x0, s20;
	[sflag:s22] =	ssyncset.done $0x0  }
0xa0: {  	[sflag:s22] =	ssyncadd.s32 s3;
	_ =	sdelay $0x1  }
0xa1: {  	s23 =	simm.s32 $0x1B8B  }
0xa2: {  	_ =	swait.ge [sflag:s23], $0x1  }
0xa3: {  	[sflag:s23] =	ssyncset.done $0x0  }
0xa4: {  	s25 =	simm.s32 $0x1B8E;
	s24 =	sld [smem:$0x3FFE];
	[sflag:s23] =	ssyncadd.s32 $0xFFFFFFFF  }
0xa5: {  	s26 =	simm.s32 $execute0_lowered;
	[smem:$0x3FD2] =	sst s25  }
0xa6: {  	s4 =	sshll.u32 s26, $0x1;
	_ =	strace $0x80000046;
	[dreg:$0x1] =	wrdreg $0xFFFFFFFF  }
0xa7: {  	s28 =	simm.s32 $_size_execute0_lowered;
	s2 =	sadd.s32 s2, s4;
	[dreg:$0x0] =	wrdreg $0x0  }
0xa8: {  	s4 =	sshll.u32 s28, $0x1;
	[dreg:$0x2] =	wrdreg s2  }
0xa9: {  	[dreg:$0x3] =	wrdreg s4  }
0xaa: {  	[dreg:$0x4] =	wrdreg $0xC0  }
0xab: {  	_ =	task [dreg:s6], $0x5FFFF  }
0xac: {  	[dreg:$0x1] =	wrdreg $0xFFFFFFFF  }
0xad: {  	[dreg:$0x0] =	wrdreg $0x60  }
0xae: {  	[dreg:$0x2] =	wrdreg s24  }
0xaf: {  	[dreg:$0x3] =	wrdreg $0x76200  }
0xb0: {  	[dreg:$0x4] =	wrdreg $0x9  }
0xb1: {  	_ =	task.clear_ibuf [dreg:s6], $0x5FFFF;
	_ =	strace $0x90000046  }
0xb2: {  	s29 =	simm.s32 $0x9;
	_ =	strace $0x80000048  }
0xb3: {  	_ =	swait.ge [sflag:s29], $0x1  }
0xb4: {  	[sflag:s29] =	ssyncadd.s32 $0xFFFFFFFF  }
0xb5: {  	_ =	strace $0x90000048  }
0xb6: {  	_ =	sfence  }
0xb7: {  	s30 =	sld [smem:$0x0];
	_ =	sdelay $0x2  }
0xb8: {  	s31 =	sshll.u32 s1, $0xD;
	s1 =	sshrl.u32 s1, $0x2  }
0xb9: {  	s3 =	sand.u32 $0x4000, s31;
	s1 =	sadd.s32 s1, s30  }
0xba: {  	s0 =	sor.u32 s3, s0;
	s1 =	sshll.u32 s1, $0x11  }
0xbb: {  	s0 =	sor.u32 s1, s0  }
0xbc: {  	s0 =	sadd.s32 $0x8F2B, s0  }
0xbd: {  	[sflag:s0] =	ssyncadd.remote.s32 $0x1  }
0xbe: {  	_ =	sfence.sel $0xFFFF  }
0xbf: {  	[dreg:$0x0] =	wrdreg $0xFFFFFFFF;
	(pc) =	sbr.abs _section_cstart, $3  }
0xc0: {  	[dreg:$0x1] =	wrdreg $0xFFFFFFFF  }
0xc1: {  	_ =	task.clear_ibuf [dreg:s6], $0x2FFFF;
	_ =	strace $0x9FFFFFFF  }
0xc2: {  	(tm) =	ssettm $0x7FFFFFFF  }
0xc3: {  	_ =	shalt  }
tec
execute0_lowered:
.L_overlay_start_1:
0x0: {  	(tag) =	ssettag $0x1  }
0x1: {  	s5 =	rddreg [dreg:$0x0];
	s0 =	srdreg.scid  }
0x2: {  	s9 =	stileid.u32;
	s1 =	rddreg [dreg:$0x1]  }
0x3: {  	s2 =	simm.s32 $0x0;
	s10 =	simm.s32 $0x5;
	s11 =	simm.s32 $0x50  }
0x4: {  	s12 =	simm.s32 $0x4E20;
	s13 =	simm.s32 $0x5820;
	s14 =	simm.s32 $0xA0  }
0x5: {  	s15 =	simm.s32 $0x6220;
	s16 =	simm.s32 $0x3;
	s17 =	simm.s32 $0x4D30  }
0x6: {  	s18 =	simm.s32 $0x4;
	s19 =	simm.s32 $0x4D80;
	s20 =	simm.s32 $0x6C20  }
0x7: {  	s21 =	simm.s32 $0x1;
	s22 =	simm.s32 $0x4DD0;
	s23 =	simm.s32 $0x0  }
0x8: {  	s4 =	sand.u32 $0x1, s0;
	s3 =	sshll.u32 s9, $0x1;
	s0 =	rddreg [dreg:$0x2]  }
0x9: {  	[smem:$0x7FF] =	sst s2;
	p0 =	sne.s32 s9, $0x0;
	s3 =	sor.u32 s4, s3  }
0xa: {  	_ =	strace $0x80000047;
	s7 =	smul.u32 $0x9C80, s4;
	s8 =	ssub.s32 $0x2, s4  }
0xb: {  	s4 =	sadd.s32 $0x47200, s5;
	s9 =	sshrl.u32 @!p0 s1, $0x3;
	s6 =	smul.u32 $0x4E2, s3  }
0xc: {  	s3 =	sadd.s32 $0x29800, s5;
	s31 =	sshrl.u32 s8, $0x1;
	s7 =	sadd.s32 s7, s5  }
0xd: {  	s8 =	ssub.s32 s8, s31;
	s6 =	sadd.s32 s6, s5;
	s7 =	sadd.s32 $0x51000, s7  }
0xe: {  	s8 =	smax.u32 s8, $0x1;
	s5 =	sadd.s32 $0x3D400, s6;
	s6 =	sadd.s32 $0x33600, s6  }
.LBB2_1:
0xf: {  	s24 =	simm.s32 @!p0 $0x1C05  }
0x10: {  	[spmem:s9], [sflag:s24] =	dma.local @!p0 [hbm:s4], $0x9C80  }
0x11: {  	s24 =	simm.s32 @!p0 $0x5  }
0x12: {  	_ =	swait.ge @!p0 [sflag:s24], $0x9C80  }
0x13: {  	[sflag:s24] =	ssyncset.done @!p0 $0x0  }
0x14: {  	[sflag:s24] =	ssyncadd.s32 @!p0 $0xFFFF6380  }
0x15: {  	[bflag:$0x0] =	sbarrier.arrive $0xFFFF  }
0x16: {  	[tilespmem:s2], [sflag:$0x5] =	stream.linear.gather [hbm4b:s5+s2], $0x2710, $0x38;
	[tilespmem:$0xC460] =	vst v63  }
0x17: {  	_ =	swait.ge [sflag:s10], $0x2710  }
0x18: {  	[sflag:s10] =	ssyncset.done $0x0  }
0x19: {  	s24 =	simm.s32 $0x2710;
	[sflag:s10] =	ssyncadd.s32 $0xFFFFD8F0  }
0x1a: {  	[tilespmem:s24], [sflag:$0x5] =	stream.linear.gather [hbm4b:s6+s2], $0x2710, $0x38;
	[tilespmem:$0xC460] =	vst v63  }
0x1b: {  	_ =	swait.ge [sflag:s10], $0x2710  }
0x1c: {  	[sflag:s10] =	ssyncset.done $0x0  }
0x1d: {  	[sflag:s10] =	ssyncadd.s32 $0xFFFFD8F0  }
0x1e: {  	[tilespmem:s12], [sflag:$0x1] =	stream.indirect.gather [hbm4b:s3+s11], $0x20, s2, s11, $0xb8;
	[tilespmem:$0xC460] =	vst v63  }
0x1f: {  	_ = 	snop  }
0x20: {  	[tilespmem:s13], [sflag:$0x2] =	stream.indirect.gather [hbm4b:s3+s11], $0x20, s11, s11, $0xb8;
	[tilespmem:$0xC460] =	vst v63  }
0x21: {  	s25 =	simm.s32 $0xF0;
	s26 =	simm.s32 $0x3  }
0x22: {  	[tilespmem:s15], [sflag:$0x3] =	stream.indirect.gather [hbm4b:s3+s11], $0x20, s14, s11, $0xb8;
	[tilespmem:$0xC460] =	vst v63  }
.LBB2_2:
0x23: {  	s28 =	sand.u32 $0x3, s26  }
0x24: {  	p1 =	sgt.s32 s28, $0x1  }
0x25: {  	p3 =	seq.s32 @p1 s28, $0x2  }
0x26: {  	p2 =	por !p3, !p1  }
0x27: {  	s29 =	simm.s32 @!p2 $0x50;
	s30 =	simm.s32 @!p2 $0x6220  }
0x28: {  	[tilespmem:s30], [sflag:$0x3] =	stream.indirect.gather @!p2 [hbm4b:s3+s29], $0x20, s25, s29, $0xb8;
	[tilespmem:$0xC460] =	vst v63  }
0x29: {  	s30 =	simm.s32 @!p2 $0x4  }
0x2a: {  	_ =	swait.ge @!p2 [sflag:s30], $0xA00  }
0x2b: {  	[sflag:s30] =	ssyncset.done @!p2 $0x0  }
0x2c: {  	p3 =	por p3, !p1;
	[sflag:s30] =	ssyncadd.s32 @!p2 $0xFFFFF600;
	s30 =	simm.s32 @!p2 $0x6C20  }
0x2d: {  	[spmem:s1] =	stream.indirect.scatter.add.f32 @!p2 [tilespmem:s30], [sflag:$0x6], $0x20, s24, s29, $0xb8;
	[tilespmem:$0xC460] =	vst v63  }
0x2e: {  	s29 =	simm.s32 @!p3 $0x50;
	s30 =	simm.s32 @!p3 $0x6C20  }
0x2f: {  	[tilespmem:s30], [sflag:$0x4] =	stream.indirect.gather @!p3 [hbm4b:s3+s29], $0x20, s25, s29, $0xb8;
	[tilespmem:$0xC460] =	vst v63  }
0x30: {  	s30 =	simm.s32 @!p3 $0x1  }
0x31: {  	_ =	swait.ge @!p3 [sflag:s30], $0xA00  }
0x32: {  	[sflag:s30] =	ssyncset.done @!p3 $0x0  }
0x33: {  	p4 =	seq.s32 @!p1 s28, $0x0;
	[sflag:s30] =	ssyncadd.s32 @!p3 $0xFFFFF600;
	s30 =	simm.s32 @!p3 $0x4E20  }
0x34: {  	[spmem:s1] =	stream.indirect.scatter.add.f32 @!p3 [tilespmem:s30], [sflag:$0x5], $0x20, s24, s29, $0xb8;
	[tilespmem:$0xC460] =	vst v63  }
0x35: {  	p3 =	por !p4, p1  }
0x36: {  	s28 =	simm.s32 @!p3 $0x50;
	s29 =	simm.s32 @!p3 $0x4E20  }
0x37: {  	[tilespmem:s29], [sflag:$0x1] =	stream.indirect.gather @!p3 [hbm4b:s3+s28], $0x20, s25, s28, $0xb8;
	[tilespmem:$0xC460] =	vst v63  }
0x38: {  	s29 =	simm.s32 @!p3 $0x2  }
0x39: {  	_ =	swait.ge @!p3 [sflag:s29], $0xA00  }
0x3a: {  	[sflag:s29] =	ssyncset.done @!p3 $0x0  }
0x3b: {  	p4 =	por p4, p1;
	[sflag:s29] =	ssyncadd.s32 @!p3 $0xFFFFF600;
	s29 =	simm.s32 @!p3 $0x5820  }
0x3c: {  	[spmem:s1] =	stream.indirect.scatter.add.f32 @!p3 [tilespmem:s29], [sflag:$0x6], $0x20, s24, s28, $0xb8;
	[tilespmem:$0xC460] =	vst v63  }
0x3d: {  	s28 =	simm.s32 @!p4 $0x50;
	s29 =	simm.s32 @!p4 $0x5820  }
0x3e: {  	[tilespmem:s29], [sflag:$0x2] =	stream.indirect.gather @!p4 [hbm4b:s3+s28], $0x20, s25, s28, $0xb8;
	[tilespmem:$0xC460] =	vst v63  }
0x3f: {  	s29 =	simm.s32 @!p4 $0x3  }
0x40: {  	_ =	swait.ge @!p4 [sflag:s29], $0xA00  }
0x41: {  	[sflag:s29] =	ssyncset.done @!p4 $0x0  }
0x42: {  	[sflag:s29] =	ssyncadd.s32 @!p4 $0xFFFFF600;
	s29 =	simm.s32 @!p4 $0x6220  }
0x43: {  	[spmem:s1] =	stream.indirect.scatter.add.f32 @!p4 [tilespmem:s29], [sflag:$0x6], $0x20, s24, s28, $0xb8;
	[tilespmem:$0xC460] =	vst v63  }
0x44: {  	s29 =	simm.s32 @!p2 $0x6;
	s28 =	simm.s32 @!p3 $0x6  }
0x45: {  	s26 =	sadd.s32 $0x1, s26;
	s29 =	simm.s32 @p2 $0x5;
	s28 =	simm.s32 @p3 $0x6  }
0x46: {  	s28 =	smov.u32 @p1 s29;
	p1 =	sne.s32 s26, $0x7D  }
.Ltmp0:
0x47: {  	_ = 	snop;
	(pc) =	sbr.rel @p1 .LBB2_2-.Ltmp0, $4  }
0x48: {  	_ = 	snop  }
0x49: {  	_ =	swait.ge [sflag:s28], $0xA00  }
0x4a: {  	[sflag:s28] =	ssyncset.done $0x0  }
0x4b: {  	s25 =	sadd.s32 $0x50, s25;
	s24 =	sadd.s32 $0x50, s24;
	[sflag:s28] =	ssyncadd.s32 $0xFFFFF600  }
0x4c: {  	_ =	swait.ge [sflag:s16], $0xA00  }
0x4d: {  	[sflag:s16] =	ssyncset.done $0x0  }
0x4e: {  	[sflag:s16] =	ssyncadd.s32 $0xFFFFF600  }
0x4f: {  	[spmem:s1] =	stream.indirect.scatter.add.f32 [tilespmem:s15], [sflag:$0x5], $0x20, s17, s11, $0xb8;
	[tilespmem:$0xC460] =	vst v63  }
0x50: {  	_ =	swait.ge [sflag:s10], $0xA00  }
0x51: {  	[sflag:s10] =	ssyncset.done $0x0  }
0x52: {  	[sflag:s10] =	ssyncadd.s32 $0xFFFFF600  }
0x53: {  	_ =	swait.ge [sflag:s18], $0xA00  }
0x54: {  	[sflag:s18] =	ssyncset.done $0x0  }
0x55: {  	[sflag:s18] =	ssyncadd.s32 $0xFFFFF600  }
0x56: {  	[spmem:s1] =	stream.indirect.scatter.add.f32 [tilespmem:s20], [sflag:$0x5], $0x20, s19, s11, $0xb8;
	[tilespmem:$0xC460] =	vst v63  }
0x57: {  	_ =	swait.ge [sflag:s10], $0xA00  }
0x58: {  	[sflag:s10] =	ssyncset.done $0x0  }
0x59: {  	[sflag:s10] =	ssyncadd.s32 $0xFFFFF600  }
0x5a: {  	_ =	swait.ge [sflag:s21], $0xA00  }
0x5b: {  	[sflag:s21] =	ssyncset.done $0x0  }
0x5c: {  	[sflag:s21] =	ssyncadd.s32 $0xFFFFF600  }
0x5d: {  	[spmem:s1] =	stream.indirect.scatter.add.f32 [tilespmem:s12], [sflag:$0x5], $0x20, s22, s11, $0xb8;
	[tilespmem:$0xC460] =	vst v63  }
0x5e: {  	_ =	swait.ge [sflag:s10], $0xA00  }
0x5f: {  	[sflag:s10] =	ssyncset.done $0x0  }
0x60: {  	s23 =	sadd.s32 $0x1, s23;
	[sflag:s10] =	ssyncadd.s32 $0xFFFFF600  }
0x61: {  	s24 =	simm.s32 @!p0 $0x1C05;
	p1 =	sne.s32 s23, s8;
	[bflag:$0x0] =	sbarrier.arrive $0xFFFF  }
0x62: {  	[hbm:s7], [sflag:s24] =	dma.local @!p0 [spmem:s9], $0x9C80  }
.Ltmp1:
0x63: {  	_ = 	snop;
	(pc) =	sbr.rel @p1 .LBB2_1-.Ltmp1, $4  }
0x64: {  	s24 =	simm.s32 @!p0 $0x5  }
0x65: {  	_ =	swait.ge @!p0 [sflag:s24], $0x9C80  }
0x66: {  	[sflag:s24] =	ssyncset.done @!p0 $0x0  }
0x67: {  	[sflag:s24] =	ssyncadd.s32 @!p0 $0xFFFF6380  }
0x68: {  	_ =	sfence.sel $0x180000  }
0x69: {  	[bflag:$0x0] =	sbarrier.arrive $0xFFFF  }
0x6a: {  	_ =	strace $0x90000047  }
0x6b: {  	s0 =	sadd.s32 @!p0 $0x100000, s0;
	[bflag:$0x2] =	sbarrier.arrive $0xFFFF  }
0x6c: {  	[sflag:s0] =	ssyncadd.tile.s32 @!p0 $0x1;
	_ =	shalt  }
.Lfunc_end2:
_tile_overlayer_lowered:
.L_overlay_start_2:
0x6d: {  	(tag) =	ssettag $0x2  }
0x6e: {  	s0 =	rddreg [dreg:$0x0];
	s2 =	stileid.u32  }
0x6f: {  	s1 =	rddreg [dreg:$0x1];
	p0 =	sne.s32 s2, $0x0  }
0x70: {  	s3 =	rddreg [dreg:$0x2];
	[bflag:$0x3] =	sbarrier.arrive $0xFFFF;
	s2 =	simm.s32 @!p0 $0x1C05  }
0x71: {  	[timem:s3], [sflag:s2] =	dma.local @!p0 [hbm:s0], s1  }
0x72: {  	s0 =	simm.s32 @!p0 $0x5  }
0x73: {  	_ =	swait.ge @!p0 [sflag:s0], s1  }
0x74: {  	s1 =	ssub.s32 @!p0 $0x0, s1;
	[sflag:s0] =	ssyncset.done @!p0 $0x0  }
0x75: {  	[sflag:s0] =	ssyncadd.s32 @!p0 s1  }
0x76: {  	[bflag:$0x3] =	sbarrier.arrive $0xFFFF  }
0x77: {  	_ =	shalt  }

</sc_bundles>
